<compile_context>
chip_gen: v7x
topology: tpu7x:2x2x1
jax: 0.10.2.dev20260603
libtpu: 0.0.44.dev20260713+nightly
codegen_flags: <defaults>
</compile_context>

<pallas_src>
import jax
import jax.numpy as jnp
from jax import lax
from jax.experimental import pallas as pl
from jax.experimental.pallas import tpu as pltpu
from jax.experimental.pallas import tpu_sc as plsc

NUM_CLASSES = 1000
N_ROWS = 1024
N_COLS = 26
NC = 2
NS = 16
NW = NC * NS
STRIP = 40
K_STRIPS = NUM_CLASSES // STRIP
N_UNITS = N_COLS * K_STRIPS

_mesh = plsc.VectorSubcoreMesh(core_axis_name="c", subcore_axis_name="s")


def _sc_body(xt_hbm, out_hbm, xt_v, buf, sems):
    w = lax.axis_index("s") * NC + lax.axis_index("c")
    lo = (w * N_UNITS) // NW
    hi = ((w + 1) * N_UNITS) // NW

    pltpu.sync_copy(xt_hbm, xt_v)

    lanes = lax.iota(jnp.int32, 16)
    zeros16 = jnp.zeros((16,), jnp.float32)
    ones16 = jnp.full((16,), 1.0, jnp.float32)

    for b2 in range(2):
        def _zr(r, carry):
            def _zc(c, carry2):
                buf[b2, r, pl.ds(c * 16, 16)] = zeros16
                return carry2

            lax.fori_loop(0, 64, _zc, 0)
            return carry

        lax.fori_loop(0, STRIP, _zr, 0)

    def _unit_jk(u):
        j = u // K_STRIPS
        return j, u - j * K_STRIPS

    def _paint(u, b, vals):
        j, k = _unit_jk(u)
        base = STRIP * k
        bvec = jnp.full((16,), b, jnp.int32)

        def _scan(c, carry):
            for t in range(4):
                xv = xt_v[j, pl.ds((c * 4 + t) * 16, 16)]
                row = xv - base
                m = (xv >= base) & (xv < base + STRIP)
                col = (c * 4 + t) * 16 + lanes
                plsc.store_scatter(buf, [bvec, row, col], vals, mask=m)
            return carry

        lax.fori_loop(0, 16, _scan, 0)

    def _start(u, sstatic):
        j, k = _unit_jk(u)
        pltpu.async_copy(
            buf.at[sstatic & 1], out_hbm.at[j, pl.ds(k * STRIP, STRIP)],
            sems.at[sstatic],
        )

    def _wait(sstatic):
        pltpu.make_async_copy(
            buf.at[sstatic & 1], out_hbm.at[0, pl.ds(0, STRIP)], sems.at[sstatic]
        ).wait()

    for pp in range(4):
        _start(lo + pp, pp)

    def _main(u, carry):
        b = (u - lo) & 3

        for pp in range(4):
            @pl.when(b == pp)
            def _():
                _wait(pp)
                _start(u, pp)

        return carry

    lax.fori_loop(lo + 4, hi, _main, 0)
    for pp in range(4):
        _wait(pp)


_sc_onehot_t = pl.kernel(
    _sc_body,
    out_type=jax.ShapeDtypeStruct((N_COLS, NUM_CLASSES, N_ROWS), jnp.float32),
    mesh=_mesh,
    scratch_types=[
        pltpu.VMEM((N_COLS, N_ROWS), jnp.int32),
        pltpu.VMEM((2, STRIP, N_ROWS), jnp.float32),
        pltpu.SemaphoreType.DMA((4,)),
    ],
    compiler_params=pltpu.CompilerParams(
        use_tc_tiling_on_sc=True, needs_layout_passes=False
    ),
)


def kernel(x):
    out_t = _sc_onehot_t(x.T)
    return jnp.transpose(out_t, (2, 0, 1))

# --- scband reference (transcript-rebuilt; emitter-appended) ---
"""Pipeline reference for scband-one-hot-encoding-47304769798331 (READ-ONLY COPY).

The authoritative reference and input builder live on the scoring server;
editing this copy changes nothing except your own understanding.
"""

import jax, jax.numpy as jnp
import numpy as np

NUM_CATEGORIES = 1000

def setup_inputs(seed: int = 0) -> dict:
    key = jax.random.key(seed)
    x = jax.random.randint(key, (1024, 26), 0, NUM_CATEGORIES, dtype=jnp.int64) if jax.config.jax_enable_x64 else jax.random.randint(key, (1024, 26), 0, NUM_CATEGORIES, dtype=jnp.int32)
    return {"x": x}

def reference(x) -> jnp.ndarray:
    # Faithful translation of torch.nn.functional.one_hot(x, num_classes).float()
    return jax.nn.one_hot(x, NUM_CATEGORIES, dtype=jnp.float32)

if __name__ == "__main__":
    import jax
    _d = setup_inputs()
    print(jax.jit(kernel)(*tuple(_d.values())))

</pallas_src>

<mosaic_0001>
#map = affine_map<(d0, d1) -> (0, 0)>
#map1 = affine_map<(d0, d1) -> (0, 0, 0)>
module attributes {stable_mosaic.version = 14 : i64} {
  func.func @_sc_body(%arg0: i32, %arg1: i32, %arg2: memref<26x1024xi32, #tpu.memory_space<hbm>>, %arg3: memref<26x1000x1024xf32, #tpu.memory_space<hbm>>, %arg4: memref<26x1024xi32, #tpu.memory_space<vmem>>, %arg5: memref<2x40x1024xf32, #tpu.memory_space<vmem>>, %arg6: memref<4x!tpu.dma_semaphore, #tpu.memory_space<semaphore_mem>>) attributes {dimension_semantics = [#tpu.dimension_semantics<core_parallel>, #tpu.dimension_semantics<subcore_parallel>], iteration_bounds = array<i64: 2, 16>, scalar_prefetch = 0 : i64, scratch_operands = 3 : i64, tpu.core_type = #tpu.core_type<sc_vector_subcore>, window_params = [{transform_indices = #map}, {transform_indices = #map1}]} {
    %mul3A = arith.constant 2 : i32
    %mul3A_0 = arith.muli %arg1, %mul3A : i32
    %add3A = arith.addi %mul3A_0, %arg0 : i32
    %mul3A_1 = arith.constant 650 : i32
    %mul3A_2 = arith.muli %add3A, %mul3A_1 : i32
    %jit3A = arith.constant 32 : i32
    %div3A = arith.divsi %mul3A_2, %jit3A : i32
    %sign3A = arith.constant 0 : i32
    %sign3A_3 = arith.cmpi sgt, %mul3A_2, %sign3A : i32
    %sign3A_4 = arith.extui %sign3A_3 : i1 to i32
    %sign3A_5 = arith.constant 0 : i32
    %sign3A_6 = arith.cmpi slt, %mul3A_2, %sign3A_5 : i32
    %sign3A_7 = arith.extui %sign3A_6 : i1 to i32
    %sign3A_8 = arith.subi %sign3A_4, %sign3A_7 : i32
    %sign3A_9 = arith.constant 0 : i32
    %sign3A_10 = arith.cmpi sgt, %jit3A, %sign3A_9 : i32
    %sign3A_11 = arith.extui %sign3A_10 : i1 to i32
    %sign3A_12 = arith.constant 0 : i32
    %sign3A_13 = arith.cmpi slt, %jit3A, %sign3A_12 : i32
    %sign3A_14 = arith.extui %sign3A_13 : i1 to i32
    %sign3A_15 = arith.subi %sign3A_11, %sign3A_14 : i32
    %ne3A = arith.cmpi ne, %sign3A_8, %sign3A_15 : i32
    %rem3A = arith.remsi %mul3A_2, %jit3A : i32
    %ne3A_16 = arith.constant 0 : i32
    %ne3A_17 = arith.cmpi ne, %rem3A, %ne3A_16 : i32
    %and3A = arith.andi %ne3A, %ne3A_17 : i1
    %sub3A = arith.constant 1 : i32
    %sub3A_18 = arith.subi %div3A, %sub3A : i32
    %select_n3A = arith.select %and3A, %sub3A_18, %div3A : i32
    %add3A_19 = arith.constant 1 : i32
    %add3A_20 = arith.addi %add3A, %add3A_19 : i32
    %mul3A_21 = arith.constant 650 : i32
    %mul3A_22 = arith.muli %add3A_20, %mul3A_21 : i32
    %jit3A_23 = arith.constant 32 : i32
    %div3A_24 = arith.divsi %mul3A_22, %jit3A_23 : i32
    %sign3A_25 = arith.constant 0 : i32
    %sign3A_26 = arith.cmpi sgt, %mul3A_22, %sign3A_25 : i32
    %sign3A_27 = arith.extui %sign3A_26 : i1 to i32
    %sign3A_28 = arith.constant 0 : i32
    %sign3A_29 = arith.cmpi slt, %mul3A_22, %sign3A_28 : i32
    %sign3A_30 = arith.extui %sign3A_29 : i1 to i32
    %sign3A_31 = arith.subi %sign3A_27, %sign3A_30 : i32
    %sign3A_32 = arith.constant 0 : i32
    %sign3A_33 = arith.cmpi sgt, %jit3A_23, %sign3A_32 : i32
    %sign3A_34 = arith.extui %sign3A_33 : i1 to i32
    %sign3A_35 = arith.constant 0 : i32
    %sign3A_36 = arith.cmpi slt, %jit3A_23, %sign3A_35 : i32
    %sign3A_37 = arith.extui %sign3A_36 : i1 to i32
    %sign3A_38 = arith.subi %sign3A_34, %sign3A_37 : i32
    %ne3A_39 = arith.cmpi ne, %sign3A_31, %sign3A_38 : i32
    %rem3A_40 = arith.remsi %mul3A_22, %jit3A_23 : i32
    %ne3A_41 = arith.constant 0 : i32
    %ne3A_42 = arith.cmpi ne, %rem3A_40, %ne3A_41 : i32
    %and3A_43 = arith.andi %ne3A_39, %ne3A_42 : i1
    %sub3A_44 = arith.constant 1 : i32
    %sub3A_45 = arith.subi %div3A_24, %sub3A_44 : i32
    %select_n3A_46 = arith.select %and3A_43, %sub3A_45, %div3A_24 : i32
    "tpu.region"() ({
      %run_scoped3A = tpu.sem_alloc : memref<!tpu.dma_semaphore, #tpu.memory_space<semaphore_mem>>
      tpu.enqueue_dma source(%arg2 : memref<26x1024xi32, #tpu.memory_space<hbm>>) target(%arg4 : memref<26x1024xi32, #tpu.memory_space<vmem>>) target_semaphore(%run_scoped3A : memref<!tpu.dma_semaphore, #tpu.memory_space<semaphore_mem>>)
      tpu.wait_dma2 semaphore(%run_scoped3A : memref<!tpu.dma_semaphore, #tpu.memory_space<semaphore_mem>>) src(%arg2 : memref<26x1024xi32, #tpu.memory_space<hbm>>) dst(%arg4 : memref<26x1024xi32, #tpu.memory_space<vmem>>)
      tpu.yield
    }) : () -> ()
    %iota3A = tpu.iota {dimensions = array<i32: 0>} : vector<16xi32>
    %broadcast_in_dim3A = arith.constant 0.000000e+00 : f32
    %broadcast_in_dim3A_47 = vector.broadcast %broadcast_in_dim3A : f32 to vector<16xf32>
    %broadcast_in_dim3A_48 = arith.constant 1.000000e+00 : f32
    %broadcast_in_dim3A_49 = vector.broadcast %broadcast_in_dim3A_48 : f32 to vector<16xf32>
    %scan3A = arith.constant 0 : i32
    %scan3A_50 = arith.constant 0 : i32
    %scan3A_51 = arith.constant 40 : i32
    %scan3A_52 = arith.addi %scan3A_50, %scan3A_51 : i32
    %scan3A_53 = arith.constant 1 : i32
    scf.for %scan3A_349 = %scan3A_50 to %scan3A_52 step %scan3A_53  : i32 {
      %scan3A_350 = arith.constant 0 : i32
      %scan3A_351 = arith.constant 0 : i32
      %scan3A_352 = arith.constant 64 : i32
      %scan3A_353 = arith.addi %scan3A_351, %scan3A_352 : i32
      %scan3A_354 = arith.constant 1 : i32
      scf.for %scan3A_356 = %scan3A_351 to %scan3A_353 step %scan3A_354  : i32 {
        %mul3A_357 = arith.constant 16 : i32
        %mul3A_358 = arith.muli %scan3A_356, %mul3A_357 : i32
        %swap3A = arith.constant 0 : i32
        %swap3A_359 = arith.index_cast %swap3A : i32 to index
        %swap3A_360 = arith.index_cast %scan3A_349 : i32 to index
        %swap3A_361 = arith.index_cast %mul3A_358 : i32 to index
        %swap3A_362 = tpu.vector_load %arg5[%swap3A_359, %swap3A_360, %swap3A_361] {strides = array<i32>} : memref<2x40x1024xf32, #tpu.memory_space<vmem>>, vector<16xf32>,
        tpu.vector_store %arg5[%swap3A_359, %swap3A_360, %swap3A_361], %broadcast_in_dim3A_47 {strides = array<i32>} : memref<2x40x1024xf32, #tpu.memory_space<vmem>>, vector<16xf32>,
      }
      %scan3A_355 = arith.constant 64 : i32
    }
    %scan3A_54 = arith.constant 40 : i32
    %scan3A_55 = arith.constant 0 : i32
    %scan3A_56 = arith.constant 0 : i32
    %scan3A_57 = arith.constant 40 : i32
    %scan3A_58 = arith.addi %scan3A_56, %scan3A_57 : i32
    %scan3A_59 = arith.constant 1 : i32
    scf.for %scan3A_349 = %scan3A_56 to %scan3A_58 step %scan3A_59  : i32 {
      %scan3A_350 = arith.constant 0 : i32
      %scan3A_351 = arith.constant 0 : i32
      %scan3A_352 = arith.constant 64 : i32
      %scan3A_353 = arith.addi %scan3A_351, %scan3A_352 : i32
      %scan3A_354 = arith.constant 1 : i32
      scf.for %scan3A_356 = %scan3A_351 to %scan3A_353 step %scan3A_354  : i32 {
        %mul3A_357 = arith.constant 16 : i32
        %mul3A_358 = arith.muli %scan3A_356, %mul3A_357 : i32
        %swap3A = arith.constant 1 : i32
        %swap3A_359 = arith.index_cast %swap3A : i32 to index
        %swap3A_360 = arith.index_cast %scan3A_349 : i32 to index
        %swap3A_361 = arith.index_cast %mul3A_358 : i32 to index
        %swap3A_362 = tpu.vector_load %arg5[%swap3A_359, %swap3A_360, %swap3A_361] {strides = array<i32>} : memref<2x40x1024xf32, #tpu.memory_space<vmem>>, vector<16xf32>,
        tpu.vector_store %arg5[%swap3A_359, %swap3A_360, %swap3A_361], %broadcast_in_dim3A_47 {strides = array<i32>} : memref<2x40x1024xf32, #tpu.memory_space<vmem>>, vector<16xf32>,
      }
      %scan3A_355 = arith.constant 64 : i32
    }
    %scan3A_60 = arith.constant 40 : i32
    %add3A_61 = arith.constant 0 : i32
    %add3A_62 = arith.addi %select_n3A, %add3A_61 : i32
    %jit3A_63 = arith.constant 25 : i32
    %div3A_64 = arith.divsi %add3A_62, %jit3A_63 : i32
    %sign3A_65 = arith.constant 0 : i32
    %sign3A_66 = arith.cmpi sgt, %add3A_62, %sign3A_65 : i32
    %sign3A_67 = arith.extui %sign3A_66 : i1 to i32
    %sign3A_68 = arith.constant 0 : i32
    %sign3A_69 = arith.cmpi slt, %add3A_62, %sign3A_68 : i32
    %sign3A_70 = arith.extui %sign3A_69 : i1 to i32
    %sign3A_71 = arith.subi %sign3A_67, %sign3A_70 : i32
    %sign3A_72 = arith.constant 0 : i32
    %sign3A_73 = arith.cmpi sgt, %jit3A_63, %sign3A_72 : i32
    %sign3A_74 = arith.extui %sign3A_73 : i1 to i32
    %sign3A_75 = arith.constant 0 : i32
    %sign3A_76 = arith.cmpi slt, %jit3A_63, %sign3A_75 : i32
    %sign3A_77 = arith.extui %sign3A_76 : i1 to i32
    %sign3A_78 = arith.subi %sign3A_74, %sign3A_77 : i32
    %ne3A_79 = arith.cmpi ne, %sign3A_71, %sign3A_78 : i32
    %rem3A_80 = arith.remsi %add3A_62, %jit3A_63 : i32
    %ne3A_81 = arith.constant 0 : i32
    %ne3A_82 = arith.cmpi ne, %rem3A_80, %ne3A_81 : i32
    %and3A_83 = arith.andi %ne3A_79, %ne3A_82 : i1
    %sub3A_84 = arith.constant 1 : i32
    %sub3A_85 = arith.subi %div3A_64, %sub3A_84 : i32
    %select_n3A_86 = arith.select %and3A_83, %sub3A_85, %div3A_64 : i32
    %mul3A_87 = arith.constant 25 : i32
    %mul3A_88 = arith.muli %select_n3A_86, %mul3A_87 : i32
    %sub3A_89 = arith.subi %add3A_62, %mul3A_88 : i32
    %mul3A_90 = arith.constant 40 : i32
    %mul3A_91 = arith.muli %sub3A_89, %mul3A_90 : i32
    %dma_start3A = arith.constant 0 : i32
    %dma_start3A_92 = arith.constant 0 : i32
    %dma_start3A_93 = arith.constant 0 : i32
    %dma_start3A_94 = arith.constant 0 : i32
    %dma_start3A_95 = tpu.memref_slice %arg5[%dma_start3A, %dma_start3A_93, %dma_start3A_94] : memref<2x40x1024xf32, #tpu.memory_space<vmem>> -> memref<1x40x1024xf32, #tpu.memory_space<vmem>>
    %dma_start3A_96 = tpu.memref_squeeze %dma_start3A_95 : memref<1x40x1024xf32, #tpu.memory_space<vmem>> -> memref<40x1024xf32, #tpu.memory_space<vmem>>
    %dma_start3A_97 = arith.constant 0 : i32
    %dma_start3A_98 = tpu.memref_slice %arg3[%select_n3A_86, %mul3A_91, %dma_start3A_97] : memref<26x1000x1024xf32, #tpu.memory_space<hbm>> -> memref<1x40x1024xf32, #tpu.memory_space<hbm>>
    %dma_start3A_99 = tpu.memref_squeeze %dma_start3A_98 : memref<1x40x1024xf32, #tpu.memory_space<hbm>> -> memref<40x1024xf32, #tpu.memory_space<hbm>>
    %dma_start3A_100 = tpu.memref_slice %arg6[%dma_start3A_92] : memref<4x!tpu.dma_semaphore, #tpu.memory_space<semaphore_mem>> -> memref<1x!tpu.dma_semaphore, #tpu.memory_space<semaphore_mem>>
    %dma_start3A_101 = tpu.memref_squeeze %dma_start3A_100 : memref<1x!tpu.dma_semaphore, #tpu.memory_space<semaphore_mem>> -> memref<!tpu.dma_semaphore, #tpu.memory_space<semaphore_mem>>
    %dma_start3A_102 = arith.constant 0 : i32
    %dma_start3A_103 = tpu.memref_slice %arg3[%select_n3A_86, %mul3A_91, %dma_start3A_102] : memref<26x1000x1024xf32, #tpu.memory_space<hbm>> -> memref<1x40x1024xf32, #tpu.memory_space<hbm>>
    %dma_start3A_104 = tpu.memref_squeeze %dma_start3A_103 : memref<1x40x1024xf32, #tpu.memory_space<hbm>> -> memref<40x1024xf32, #tpu.memory_space<hbm>>
    %dma_start3A_105 = arith.constant 0 : i32
    %dma_start3A_106 = arith.constant 0 : i32
    %dma_start3A_107 = tpu.memref_slice %arg5[%dma_start3A, %dma_start3A_105, %dma_start3A_106] : memref<2x40x1024xf32, #tpu.memory_space<vmem>> -> memref<1x40x1024xf32, #tpu.memory_space<vmem>>
    %dma_start3A_108 = tpu.memref_squeeze %dma_start3A_107 : memref<1x40x1024xf32, #tpu.memory_space<vmem>> -> memref<40x1024xf32, #tpu.memory_space<vmem>>
    tpu.enqueue_dma source(%dma_start3A_108 : memref<40x1024xf32, #tpu.memory_space<vmem>>) target(%dma_start3A_104 : memref<40x1024xf32, #tpu.memory_space<hbm>>) target_semaphore(%dma_start3A_101 : memref<!tpu.dma_semaphore, #tpu.memory_space<semaphore_mem>>)
    %add3A_109 = arith.constant 1 : i32
    %add3A_110 = arith.addi %select_n3A, %add3A_109 : i32
    %jit3A_111 = arith.constant 25 : i32
    %div3A_112 = arith.divsi %add3A_110, %jit3A_111 : i32
    %sign3A_113 = arith.constant 0 : i32
    %sign3A_114 = arith.cmpi sgt, %add3A_110, %sign3A_113 : i32
    %sign3A_115 = arith.extui %sign3A_114 : i1 to i32
    %sign3A_116 = arith.constant 0 : i32
    %sign3A_117 = arith.cmpi slt, %add3A_110, %sign3A_116 : i32
    %sign3A_118 = arith.extui %sign3A_117 : i1 to i32
    %sign3A_119 = arith.subi %sign3A_115, %sign3A_118 : i32
    %sign3A_120 = arith.constant 0 : i32
    %sign3A_121 = arith.cmpi sgt, %jit3A_111, %sign3A_120 : i32
    %sign3A_122 = arith.extui %sign3A_121 : i1 to i32
    %sign3A_123 = arith.constant 0 : i32
    %sign3A_124 = arith.cmpi slt, %jit3A_111, %sign3A_123 : i32
    %sign3A_125 = arith.extui %sign3A_124 : i1 to i32
    %sign3A_126 = arith.subi %sign3A_122, %sign3A_125 : i32
    %ne3A_127 = arith.cmpi ne, %sign3A_119, %sign3A_126 : i32
    %rem3A_128 = arith.remsi %add3A_110, %jit3A_111 : i32
    %ne3A_129 = arith.constant 0 : i32
    %ne3A_130 = arith.cmpi ne, %rem3A_128, %ne3A_129 : i32
    %and3A_131 = arith.andi %ne3A_127, %ne3A_130 : i1
    %sub3A_132 = arith.constant 1 : i32
    %sub3A_133 = arith.subi %div3A_112, %sub3A_132 : i32
    %select_n3A_134 = arith.select %and3A_131, %sub3A_133, %div3A_112 : i32
    %mul3A_135 = arith.constant 25 : i32
    %mul3A_136 = arith.muli %select_n3A_134, %mul3A_135 : i32
    %sub3A_137 = arith.subi %add3A_110, %mul3A_136 : i32
    %mul3A_138 = arith.constant 40 : i32
    %mul3A_139 = arith.muli %sub3A_137, %mul3A_138 : i32
    %dma_start3A_140 = arith.constant 1 : i32
    %dma_start3A_141 = arith.constant 1 : i32
    %dma_start3A_142 = arith.constant 0 : i32
    %dma_start3A_143 = arith.constant 0 : i32
    %dma_start3A_144 = tpu.memref_slice %arg5[%dma_start3A_140, %dma_start3A_142, %dma_start3A_143] : memref<2x40x1024xf32, #tpu.memory_space<vmem>> -> memref<1x40x1024xf32, #tpu.memory_space<vmem>>
    %dma_start3A_145 = tpu.memref_squeeze %dma_start3A_144 : memref<1x40x1024xf32, #tpu.memory_space<vmem>> -> memref<40x1024xf32, #tpu.memory_space<vmem>>
    %dma_start3A_146 = arith.constant 0 : i32
    %dma_start3A_147 = tpu.memref_slice %arg3[%select_n3A_134, %mul3A_139, %dma_start3A_146] : memref<26x1000x1024xf32, #tpu.memory_space<hbm>> -> memref<1x40x1024xf32, #tpu.memory_space<hbm>>
    %dma_start3A_148 = tpu.memref_squeeze %dma_start3A_147 : memref<1x40x1024xf32, #tpu.memory_space<hbm>> -> memref<40x1024xf32, #tpu.memory_space<hbm>>
    %dma_start3A_149 = tpu.memref_slice %arg6[%dma_start3A_141] : memref<4x!tpu.dma_semaphore, #tpu.memory_space<semaphore_mem>> -> memref<1x!tpu.dma_semaphore, #tpu.memory_space<semaphore_mem>>
    %dma_start3A_150 = tpu.memref_squeeze %dma_start3A_149 : memref<1x!tpu.dma_semaphore, #tpu.memory_space<semaphore_mem>> -> memref<!tpu.dma_semaphore, #tpu.memory_space<semaphore_mem>>
    %dma_start3A_151 = arith.constant 0 : i32
    %dma_start3A_152 = tpu.memref_slice %arg3[%select_n3A_134, %mul3A_139, %dma_start3A_151] : memref<26x1000x1024xf32, #tpu.memory_space<hbm>> -> memref<1x40x1024xf32, #tpu.memory_space<hbm>>
    %dma_start3A_153 = tpu.memref_squeeze %dma_start3A_152 : memref<1x40x1024xf32, #tpu.memory_space<hbm>> -> memref<40x1024xf32, #tpu.memory_space<hbm>>
    %dma_start3A_154 = arith.constant 0 : i32
    %dma_start3A_155 = arith.constant 0 : i32
    %dma_start3A_156 = tpu.memref_slice %arg5[%dma_start3A_140, %dma_start3A_154, %dma_start3A_155] : memref<2x40x1024xf32, #tpu.memory_space<vmem>> -> memref<1x40x1024xf32, #tpu.memory_space<vmem>>
    %dma_start3A_157 = tpu.memref_squeeze %dma_start3A_156 : memref<1x40x1024xf32, #tpu.memory_space<vmem>> -> memref<40x1024xf32, #tpu.memory_space<vmem>>
    tpu.enqueue_dma source(%dma_start3A_157 : memref<40x1024xf32, #tpu.memory_space<vmem>>) target(%dma_start3A_153 : memref<40x1024xf32, #tpu.memory_space<hbm>>) target_semaphore(%dma_start3A_150 : memref<!tpu.dma_semaphore, #tpu.memory_space<semaphore_mem>>)
    %add3A_158 = arith.constant 2 : i32
    %add3A_159 = arith.addi %select_n3A, %add3A_158 : i32
    %jit3A_160 = arith.constant 25 : i32
    %div3A_161 = arith.divsi %add3A_159, %jit3A_160 : i32
    %sign3A_162 = arith.constant 0 : i32
    %sign3A_163 = arith.cmpi sgt, %add3A_159, %sign3A_162 : i32
    %sign3A_164 = arith.extui %sign3A_163 : i1 to i32
    %sign3A_165 = arith.constant 0 : i32
    %sign3A_166 = arith.cmpi slt, %add3A_159, %sign3A_165 : i32
    %sign3A_167 = arith.extui %sign3A_166 : i1 to i32
    %sign3A_168 = arith.subi %sign3A_164, %sign3A_167 : i32
    %sign3A_169 = arith.constant 0 : i32
    %sign3A_170 = arith.cmpi sgt, %jit3A_160, %sign3A_169 : i32
    %sign3A_171 = arith.extui %sign3A_170 : i1 to i32
    %sign3A_172 = arith.constant 0 : i32
    %sign3A_173 = arith.cmpi slt, %jit3A_160, %sign3A_172 : i32
    %sign3A_174 = arith.extui %sign3A_173 : i1 to i32
    %sign3A_175 = arith.subi %sign3A_171, %sign3A_174 : i32
    %ne3A_176 = arith.cmpi ne, %sign3A_168, %sign3A_175 : i32
    %rem3A_177 = arith.remsi %add3A_159, %jit3A_160 : i32
    %ne3A_178 = arith.constant 0 : i32
    %ne3A_179 = arith.cmpi ne, %rem3A_177, %ne3A_178 : i32
    %and3A_180 = arith.andi %ne3A_176, %ne3A_179 : i1
    %sub3A_181 = arith.constant 1 : i32
    %sub3A_182 = arith.subi %div3A_161, %sub3A_181 : i32
    %select_n3A_183 = arith.select %and3A_180, %sub3A_182, %div3A_161 : i32
    %mul3A_184 = arith.constant 25 : i32
    %mul3A_185 = arith.muli %select_n3A_183, %mul3A_184 : i32
    %sub3A_186 = arith.subi %add3A_159, %mul3A_185 : i32
    %mul3A_187 = arith.constant 40 : i32
    %mul3A_188 = arith.muli %sub3A_186, %mul3A_187 : i32
    %dma_start3A_189 = arith.constant 0 : i32
    %dma_start3A_190 = arith.constant 2 : i32
    %dma_start3A_191 = arith.constant 0 : i32
    %dma_start3A_192 = arith.constant 0 : i32
    %dma_start3A_193 = tpu.memref_slice %arg5[%dma_start3A_189, %dma_start3A_191, %dma_start3A_192] : memref<2x40x1024xf32, #tpu.memory_space<vmem>> -> memref<1x40x1024xf32, #tpu.memory_space<vmem>>
    %dma_start3A_194 = tpu.memref_squeeze %dma_start3A_193 : memref<1x40x1024xf32, #tpu.memory_space<vmem>> -> memref<40x1024xf32, #tpu.memory_space<vmem>>
    %dma_start3A_195 = arith.constant 0 : i32
    %dma_start3A_196 = tpu.memref_slice %arg3[%select_n3A_183, %mul3A_188, %dma_start3A_195] : memref<26x1000x1024xf32, #tpu.memory_space<hbm>> -> memref<1x40x1024xf32, #tpu.memory_space<hbm>>
    %dma_start3A_197 = tpu.memref_squeeze %dma_start3A_196 : memref<1x40x1024xf32, #tpu.memory_space<hbm>> -> memref<40x1024xf32, #tpu.memory_space<hbm>>
    %dma_start3A_198 = tpu.memref_slice %arg6[%dma_start3A_190] : memref<4x!tpu.dma_semaphore, #tpu.memory_space<semaphore_mem>> -> memref<1x!tpu.dma_semaphore, #tpu.memory_space<semaphore_mem>>
    %dma_start3A_199 = tpu.memref_squeeze %dma_start3A_198 : memref<1x!tpu.dma_semaphore, #tpu.memory_space<semaphore_mem>> -> memref<!tpu.dma_semaphore, #tpu.memory_space<semaphore_mem>>
    %dma_start3A_200 = arith.constant 0 : i32
    %dma_start3A_201 = tpu.memref_slice %arg3[%select_n3A_183, %mul3A_188, %dma_start3A_200] : memref<26x1000x1024xf32, #tpu.memory_space<hbm>> -> memref<1x40x1024xf32, #tpu.memory_space<hbm>>
    %dma_start3A_202 = tpu.memref_squeeze %dma_start3A_201 : memref<1x40x1024xf32, #tpu.memory_space<hbm>> -> memref<40x1024xf32, #tpu.memory_space<hbm>>
    %dma_start3A_203 = arith.constant 0 : i32
    %dma_start3A_204 = arith.constant 0 : i32
    %dma_start3A_205 = tpu.memref_slice %arg5[%dma_start3A_189, %dma_start3A_203, %dma_start3A_204] : memref<2x40x1024xf32, #tpu.memory_space<vmem>> -> memref<1x40x1024xf32, #tpu.memory_space<vmem>>
    %dma_start3A_206 = tpu.memref_squeeze %dma_start3A_205 : memref<1x40x1024xf32, #tpu.memory_space<vmem>> -> memref<40x1024xf32, #tpu.memory_space<vmem>>
    tpu.enqueue_dma source(%dma_start3A_206 : memref<40x1024xf32, #tpu.memory_space<vmem>>) target(%dma_start3A_202 : memref<40x1024xf32, #tpu.memory_space<hbm>>) target_semaphore(%dma_start3A_199 : memref<!tpu.dma_semaphore, #tpu.memory_space<semaphore_mem>>)
    %add3A_207 = arith.constant 3 : i32
    %add3A_208 = arith.addi %select_n3A, %add3A_207 : i32
    %jit3A_209 = arith.constant 25 : i32
    %div3A_210 = arith.divsi %add3A_208, %jit3A_209 : i32
    %sign3A_211 = arith.constant 0 : i32
    %sign3A_212 = arith.cmpi sgt, %add3A_208, %sign3A_211 : i32
    %sign3A_213 = arith.extui %sign3A_212 : i1 to i32
    %sign3A_214 = arith.constant 0 : i32
    %sign3A_215 = arith.cmpi slt, %add3A_208, %sign3A_214 : i32
    %sign3A_216 = arith.extui %sign3A_215 : i1 to i32
    %sign3A_217 = arith.subi %sign3A_213, %sign3A_216 : i32
    %sign3A_218 = arith.constant 0 : i32
    %sign3A_219 = arith.cmpi sgt, %jit3A_209, %sign3A_218 : i32
    %sign3A_220 = arith.extui %sign3A_219 : i1 to i32
    %sign3A_221 = arith.constant 0 : i32
    %sign3A_222 = arith.cmpi slt, %jit3A_209, %sign3A_221 : i32
    %sign3A_223 = arith.extui %sign3A_222 : i1 to i32
    %sign3A_224 = arith.subi %sign3A_220, %sign3A_223 : i32
    %ne3A_225 = arith.cmpi ne, %sign3A_217, %sign3A_224 : i32
    %rem3A_226 = arith.remsi %add3A_208, %jit3A_209 : i32
    %ne3A_227 = arith.constant 0 : i32
    %ne3A_228 = arith.cmpi ne, %rem3A_226, %ne3A_227 : i32
    %and3A_229 = arith.andi %ne3A_225, %ne3A_228 : i1
    %sub3A_230 = arith.constant 1 : i32
    %sub3A_231 = arith.subi %div3A_210, %sub3A_230 : i32
    %select_n3A_232 = arith.select %and3A_229, %sub3A_231, %div3A_210 : i32
    %mul3A_233 = arith.constant 25 : i32
    %mul3A_234 = arith.muli %select_n3A_232, %mul3A_233 : i32
    %sub3A_235 = arith.subi %add3A_208, %mul3A_234 : i32
    %mul3A_236 = arith.constant 40 : i32
    %mul3A_237 = arith.muli %sub3A_235, %mul3A_236 : i32
    %dma_start3A_238 = arith.constant 1 : i32
    %dma_start3A_239 = arith.constant 3 : i32
    %dma_start3A_240 = arith.constant 0 : i32
    %dma_start3A_241 = arith.constant 0 : i32
    %dma_start3A_242 = tpu.memref_slice %arg5[%dma_start3A_238, %dma_start3A_240, %dma_start3A_241] : memref<2x40x1024xf32, #tpu.memory_space<vmem>> -> memref<1x40x1024xf32, #tpu.memory_space<vmem>>
    %dma_start3A_243 = tpu.memref_squeeze %dma_start3A_242 : memref<1x40x1024xf32, #tpu.memory_space<vmem>> -> memref<40x1024xf32, #tpu.memory_space<vmem>>
    %dma_start3A_244 = arith.constant 0 : i32
    %dma_start3A_245 = tpu.memref_slice %arg3[%select_n3A_232, %mul3A_237, %dma_start3A_244] : memref<26x1000x1024xf32, #tpu.memory_space<hbm>> -> memref<1x40x1024xf32, #tpu.memory_space<hbm>>
    %dma_start3A_246 = tpu.memref_squeeze %dma_start3A_245 : memref<1x40x1024xf32, #tpu.memory_space<hbm>> -> memref<40x1024xf32, #tpu.memory_space<hbm>>
    %dma_start3A_247 = tpu.memref_slice %arg6[%dma_start3A_239] : memref<4x!tpu.dma_semaphore, #tpu.memory_space<semaphore_mem>> -> memref<1x!tpu.dma_semaphore, #tpu.memory_space<semaphore_mem>>
    %dma_start3A_248 = tpu.memref_squeeze %dma_start3A_247 : memref<1x!tpu.dma_semaphore, #tpu.memory_space<semaphore_mem>> -> memref<!tpu.dma_semaphore, #tpu.memory_space<semaphore_mem>>
    %dma_start3A_249 = arith.constant 0 : i32
    %dma_start3A_250 = tpu.memref_slice %arg3[%select_n3A_232, %mul3A_237, %dma_start3A_249] : memref<26x1000x1024xf32, #tpu.memory_space<hbm>> -> memref<1x40x1024xf32, #tpu.memory_space<hbm>>
    %dma_start3A_251 = tpu.memref_squeeze %dma_start3A_250 : memref<1x40x1024xf32, #tpu.memory_space<hbm>> -> memref<40x1024xf32, #tpu.memory_space<hbm>>
    %dma_start3A_252 = arith.constant 0 : i32
    %dma_start3A_253 = arith.constant 0 : i32
    %dma_start3A_254 = tpu.memref_slice %arg5[%dma_start3A_238, %dma_start3A_252, %dma_start3A_253] : memref<2x40x1024xf32, #tpu.memory_space<vmem>> -> memref<1x40x1024xf32, #tpu.memory_space<vmem>>
    %dma_start3A_255 = tpu.memref_squeeze %dma_start3A_254 : memref<1x40x1024xf32, #tpu.memory_space<vmem>> -> memref<40x1024xf32, #tpu.memory_space<vmem>>
    tpu.enqueue_dma source(%dma_start3A_255 : memref<40x1024xf32, #tpu.memory_space<vmem>>) target(%dma_start3A_251 : memref<40x1024xf32, #tpu.memory_space<hbm>>) target_semaphore(%dma_start3A_248 : memref<!tpu.dma_semaphore, #tpu.memory_space<semaphore_mem>>)
    %add3A_256 = arith.constant 4 : i32
    %add3A_257 = arith.addi %select_n3A, %add3A_256 : i32
    %while3A = arith.constant 0 : i32
    %while3A_258 = arith.subi %select_n3A_46, %add3A_257 : i32
    %while3A_259 = arith.addi %add3A_257, %while3A_258 : i32
    %while3A_260 = arith.constant 1 : i32
    %while3A_261 = arith.divsi %while3A_258, %while3A_260 : i32
    %while3A_262 = arith.muli %while3A_261, %while3A_260 : i32
    %while3A_263 = arith.addi %add3A_257, %while3A_262 : i32
    %while3A_264 = arith.constant 1 : i32
    scf.for %while3A_349 = %add3A_257 to %while3A_263 step %while3A_264  : i32 {
      %sub3A_350 = arith.subi %while3A_349, %select_n3A : i32
      %and3A_351 = arith.constant 3 : i32
      %and3A_352 = arith.andi %sub3A_350, %and3A_351 : i32
      %eq3A = arith.constant 0 : i32
      %eq3A_353 = arith.cmpi eq, %and3A_352, %eq3A : i32
      %convert_element_type3A = arith.extui %eq3A_353 : i1 to i32
      %cond3A = arith.constant 0 : i32
      %cond3A_354 = arith.cmpi ne, %convert_element_type3A, %cond3A : i32
      scf.if %cond3A_354 {
        %dma_wait3A_370 = arith.constant 0 : i32
        %dma_wait3A_371 = arith.constant 0 : i32
        %dma_wait3A_372 = arith.constant 0 : i32
        %dma_wait3A_373 = arith.constant 0 : i32
        %dma_wait3A_374 = arith.constant 0 : i32
        %dma_wait3A_375 = tpu.memref_slice %arg5[%dma_wait3A_370, %dma_wait3A_373, %dma_wait3A_374] : memref<2x40x1024xf32, #tpu.memory_space<vmem>> -> memref<1x40x1024xf32, #tpu.memory_space<vmem>>
        %dma_wait3A_376 = tpu.memref_squeeze %dma_wait3A_375 : memref<1x40x1024xf32, #tpu.memory_space<vmem>> -> memref<40x1024xf32, #tpu.memory_space<vmem>>
        %dma_wait3A_377 = arith.constant 0 : i32
        %dma_wait3A_378 = arith.constant 0 : i32
        %dma_wait3A_379 = tpu.memref_slice %arg3[%dma_wait3A_371, %dma_wait3A_377, %dma_wait3A_378] : memref<26x1000x1024xf32, #tpu.memory_space<hbm>> -> memref<1x40x1024xf32, #tpu.memory_space<hbm>>
        %dma_wait3A_380 = tpu.memref_squeeze %dma_wait3A_379 : memref<1x40x1024xf32, #tpu.memory_space<hbm>> -> memref<40x1024xf32, #tpu.memory_space<hbm>>
        %dma_wait3A_381 = tpu.memref_slice %arg6[%dma_wait3A_372] : memref<4x!tpu.dma_semaphore, #tpu.memory_space<semaphore_mem>> -> memref<1x!tpu.dma_semaphore, #tpu.memory_space<semaphore_mem>>
        %dma_wait3A_382 = tpu.memref_squeeze %dma_wait3A_381 : memref<1x!tpu.dma_semaphore, #tpu.memory_space<semaphore_mem>> -> memref<!tpu.dma_semaphore, #tpu.memory_space<semaphore_mem>>
        %dma_wait3A_383 = arith.constant 0 : i32
        %dma_wait3A_384 = arith.constant 0 : i32
        %dma_wait3A_385 = tpu.memref_slice %arg3[%dma_wait3A_371, %dma_wait3A_383, %dma_wait3A_384] : memref<26x1000x1024xf32, #tpu.memory_space<hbm>> -> memref<1x40x1024xf32, #tpu.memory_space<hbm>>
        %dma_wait3A_386 = tpu.memref_squeeze %dma_wait3A_385 : memref<1x40x1024xf32, #tpu.memory_space<hbm>> -> memref<40x1024xf32, #tpu.memory_space<hbm>>
        %dma_wait3A_387 = arith.constant 0 : i32
        %dma_wait3A_388 = arith.constant 0 : i32
        %dma_wait3A_389 = tpu.memref_slice %arg5[%dma_wait3A_370, %dma_wait3A_387, %dma_wait3A_388] : memref<2x40x1024xf32, #tpu.memory_space<vmem>> -> memref<1x40x1024xf32, #tpu.memory_space<vmem>>
        %dma_wait3A_390 = tpu.memref_squeeze %dma_wait3A_389 : memref<1x40x1024xf32, #tpu.memory_space<vmem>> -> memref<40x1024xf32, #tpu.memory_space<vmem>>
        tpu.wait_dma2 semaphore(%dma_wait3A_382 : memref<!tpu.dma_semaphore, #tpu.memory_space<semaphore_mem>>) src(%dma_wait3A_390 : memref<40x1024xf32, #tpu.memory_space<vmem>>) dst(%dma_wait3A_386 : memref<40x1024xf32, #tpu.memory_space<hbm>>)
        %jit3A_391 = arith.constant 25 : i32
        %div3A_392 = arith.divsi %while3A_349, %jit3A_391 : i32
        %sign3A_393 = arith.constant 0 : i32
        %sign3A_394 = arith.cmpi sgt, %while3A_349, %sign3A_393 : i32
        %sign3A_395 = arith.extui %sign3A_394 : i1 to i32
        %sign3A_396 = arith.constant 0 : i32
        %sign3A_397 = arith.cmpi slt, %while3A_349, %sign3A_396 : i32
        %sign3A_398 = arith.extui %sign3A_397 : i1 to i32
        %sign3A_399 = arith.subi %sign3A_395, %sign3A_398 : i32
        %sign3A_400 = arith.constant 0 : i32
        %sign3A_401 = arith.cmpi sgt, %jit3A_391, %sign3A_400 : i32
        %sign3A_402 = arith.extui %sign3A_401 : i1 to i32
        %sign3A_403 = arith.constant 0 : i32
        %sign3A_404 = arith.cmpi slt, %jit3A_391, %sign3A_403 : i32
        %sign3A_405 = arith.extui %sign3A_404 : i1 to i32
        %sign3A_406 = arith.subi %sign3A_402, %sign3A_405 : i32
        %ne3A_407 = arith.cmpi ne, %sign3A_399, %sign3A_406 : i32
        %rem3A_408 = arith.remsi %while3A_349, %jit3A_391 : i32
        %ne3A_409 = arith.constant 0 : i32
        %ne3A_410 = arith.cmpi ne, %rem3A_408, %ne3A_409 : i32
        %and3A_411 = arith.andi %ne3A_407, %ne3A_410 : i1
        %sub3A_412 = arith.constant 1 : i32
        %sub3A_413 = arith.subi %div3A_392, %sub3A_412 : i32
        %select_n3A_414 = arith.select %and3A_411, %sub3A_413, %div3A_392 : i32
        %mul3A_415 = arith.constant 25 : i32
        %mul3A_416 = arith.muli %select_n3A_414, %mul3A_415 : i32
        %sub3A_417 = arith.subi %while3A_349, %mul3A_416 : i32
        %mul3A_418 = arith.constant 40 : i32
        %mul3A_419 = arith.muli %sub3A_417, %mul3A_418 : i32
        %dma_start3A_420 = arith.constant 0 : i32
        %dma_start3A_421 = arith.constant 0 : i32
        %dma_start3A_422 = arith.constant 0 : i32
        %dma_start3A_423 = arith.constant 0 : i32
        %dma_start3A_424 = tpu.memref_slice %arg5[%dma_start3A_420, %dma_start3A_422, %dma_start3A_423] : memref<2x40x1024xf32, #tpu.memory_space<vmem>> -> memref<1x40x1024xf32, #tpu.memory_space<vmem>>
        %dma_start3A_425 = tpu.memref_squeeze %dma_start3A_424 : memref<1x40x1024xf32, #tpu.memory_space<vmem>> -> memref<40x1024xf32, #tpu.memory_space<vmem>>
        %dma_start3A_426 = arith.constant 0 : i32
        %dma_start3A_427 = tpu.memref_slice %arg3[%select_n3A_414, %mul3A_419, %dma_start3A_426] : memref<26x1000x1024xf32, #tpu.memory_space<hbm>> -> memref<1x40x1024xf32, #tpu.memory_space<hbm>>
        %dma_start3A_428 = tpu.memref_squeeze %dma_start3A_427 : memref<1x40x1024xf32, #tpu.memory_space<hbm>> -> memref<40x1024xf32, #tpu.memory_space<hbm>>
        %dma_start3A_429 = tpu.memref_slice %arg6[%dma_start3A_421] : memref<4x!tpu.dma_semaphore, #tpu.memory_space<semaphore_mem>> -> memref<1x!tpu.dma_semaphore, #tpu.memory_space<semaphore_mem>>
        %dma_start3A_430 = tpu.memref_squeeze %dma_start3A_429 : memref<1x!tpu.dma_semaphore, #tpu.memory_space<semaphore_mem>> -> memref<!tpu.dma_semaphore, #tpu.memory_space<semaphore_mem>>
        %dma_start3A_431 = arith.constant 0 : i32
        %dma_start3A_432 = tpu.memref_slice %arg3[%select_n3A_414, %mul3A_419, %dma_start3A_431] : memref<26x1000x1024xf32, #tpu.memory_space<hbm>> -> memref<1x40x1024xf32, #tpu.memory_space<hbm>>
        %dma_start3A_433 = tpu.memref_squeeze %dma_start3A_432 : memref<1x40x1024xf32, #tpu.memory_space<hbm>> -> memref<40x1024xf32, #tpu.memory_space<hbm>>
        %dma_start3A_434 = arith.constant 0 : i32
        %dma_start3A_435 = arith.constant 0 : i32
        %dma_start3A_436 = tpu.memref_slice %arg5[%dma_start3A_420, %dma_start3A_434, %dma_start3A_435] : memref<2x40x1024xf32, #tpu.memory_space<vmem>> -> memref<1x40x1024xf32, #tpu.memory_space<vmem>>
        %dma_start3A_437 = tpu.memref_squeeze %dma_start3A_436 : memref<1x40x1024xf32, #tpu.memory_space<vmem>> -> memref<40x1024xf32, #tpu.memory_space<vmem>>
        tpu.enqueue_dma source(%dma_start3A_437 : memref<40x1024xf32, #tpu.memory_space<vmem>>) target(%dma_start3A_433 : memref<40x1024xf32, #tpu.memory_space<hbm>>) target_semaphore(%dma_start3A_430 : memref<!tpu.dma_semaphore, #tpu.memory_space<semaphore_mem>>)
      } else {
      }
      %eq3A_355 = arith.constant 1 : i32
      %eq3A_356 = arith.cmpi eq, %and3A_352, %eq3A_355 : i32
      %convert_element_type3A_357 = arith.extui %eq3A_356 : i1 to i32
      %cond3A_358 = arith.constant 0 : i32
      %cond3A_359 = arith.cmpi ne, %convert_element_type3A_357, %cond3A_358 : i32
      scf.if %cond3A_359 {
        %dma_wait3A_370 = arith.constant 1 : i32
        %dma_wait3A_371 = arith.constant 0 : i32
        %dma_wait3A_372 = arith.constant 1 : i32
        %dma_wait3A_373 = arith.constant 0 : i32
        %dma_wait3A_374 = arith.constant 0 : i32
        %dma_wait3A_375 = tpu.memref_slice %arg5[%dma_wait3A_370, %dma_wait3A_373, %dma_wait3A_374] : memref<2x40x1024xf32, #tpu.memory_space<vmem>> -> memref<1x40x1024xf32, #tpu.memory_space<vmem>>
        %dma_wait3A_376 = tpu.memref_squeeze %dma_wait3A_375 : memref<1x40x1024xf32, #tpu.memory_space<vmem>> -> memref<40x1024xf32, #tpu.memory_space<vmem>>
        %dma_wait3A_377 = arith.constant 0 : i32
        %dma_wait3A_378 = arith.constant 0 : i32
        %dma_wait3A_379 = tpu.memref_slice %arg3[%dma_wait3A_371, %dma_wait3A_377, %dma_wait3A_378] : memref<26x1000x1024xf32, #tpu.memory_space<hbm>> -> memref<1x40x1024xf32, #tpu.memory_space<hbm>>
        %dma_wait3A_380 = tpu.memref_squeeze %dma_wait3A_379 : memref<1x40x1024xf32, #tpu.memory_space<hbm>> -> memref<40x1024xf32, #tpu.memory_space<hbm>>
        %dma_wait3A_381 = tpu.memref_slice %arg6[%dma_wait3A_372] : memref<4x!tpu.dma_semaphore, #tpu.memory_space<semaphore_mem>> -> memref<1x!tpu.dma_semaphore, #tpu.memory_space<semaphore_mem>>
        %dma_wait3A_382 = tpu.memref_squeeze %dma_wait3A_381 : memref<1x!tpu.dma_semaphore, #tpu.memory_space<semaphore_mem>> -> memref<!tpu.dma_semaphore, #tpu.memory_space<semaphore_mem>>
        %dma_wait3A_383 = arith.constant 0 : i32
        %dma_wait3A_384 = arith.constant 0 : i32
        %dma_wait3A_385 = tpu.memref_slice %arg3[%dma_wait3A_371, %dma_wait3A_383, %dma_wait3A_384] : memref<26x1000x1024xf32, #tpu.memory_space<hbm>> -> memref<1x40x1024xf32, #tpu.memory_space<hbm>>
        %dma_wait3A_386 = tpu.memref_squeeze %dma_wait3A_385 : memref<1x40x1024xf32, #tpu.memory_space<hbm>> -> memref<40x1024xf32, #tpu.memory_space<hbm>>
        %dma_wait3A_387 = arith.constant 0 : i32
        %dma_wait3A_388 = arith.constant 0 : i32
        %dma_wait3A_389 = tpu.memref_slice %arg5[%dma_wait3A_370, %dma_wait3A_387, %dma_wait3A_388] : memref<2x40x1024xf32, #tpu.memory_space<vmem>> -> memref<1x40x1024xf32, #tpu.memory_space<vmem>>
        %dma_wait3A_390 = tpu.memref_squeeze %dma_wait3A_389 : memref<1x40x1024xf32, #tpu.memory_space<vmem>> -> memref<40x1024xf32, #tpu.memory_space<vmem>>
        tpu.wait_dma2 semaphore(%dma_wait3A_382 : memref<!tpu.dma_semaphore, #tpu.memory_space<semaphore_mem>>) src(%dma_wait3A_390 : memref<40x1024xf32, #tpu.memory_space<vmem>>) dst(%dma_wait3A_386 : memref<40x1024xf32, #tpu.memory_space<hbm>>)
        %jit3A_391 = arith.constant 25 : i32
        %div3A_392 = arith.divsi %while3A_349, %jit3A_391 : i32
        %sign3A_393 = arith.constant 0 : i32
        %sign3A_394 = arith.cmpi sgt, %while3A_349, %sign3A_393 : i32
        %sign3A_395 = arith.extui %sign3A_394 : i1 to i32
        %sign3A_396 = arith.constant 0 : i32
        %sign3A_397 = arith.cmpi slt, %while3A_349, %sign3A_396 : i32
        %sign3A_398 = arith.extui %sign3A_397 : i1 to i32
        %sign3A_399 = arith.subi %sign3A_395, %sign3A_398 : i32
        %sign3A_400 = arith.constant 0 : i32
        %sign3A_401 = arith.cmpi sgt, %jit3A_391, %sign3A_400 : i32
        %sign3A_402 = arith.extui %sign3A_401 : i1 to i32
        %sign3A_403 = arith.constant 0 : i32
        %sign3A_404 = arith.cmpi slt, %jit3A_391, %sign3A_403 : i32
        %sign3A_405 = arith.extui %sign3A_404 : i1 to i32
        %sign3A_406 = arith.subi %sign3A_402, %sign3A_405 : i32
        %ne3A_407 = arith.cmpi ne, %sign3A_399, %sign3A_406 : i32
        %rem3A_408 = arith.remsi %while3A_349, %jit3A_391 : i32
        %ne3A_409 = arith.constant 0 : i32
        %ne3A_410 = arith.cmpi ne, %rem3A_408, %ne3A_409 : i32
        %and3A_411 = arith.andi %ne3A_407, %ne3A_410 : i1
        %sub3A_412 = arith.constant 1 : i32
        %sub3A_413 = arith.subi %div3A_392, %sub3A_412 : i32
        %select_n3A_414 = arith.select %and3A_411, %sub3A_413, %div3A_392 : i32
        %mul3A_415 = arith.constant 25 : i32
        %mul3A_416 = arith.muli %select_n3A_414, %mul3A_415 : i32
        %sub3A_417 = arith.subi %while3A_349, %mul3A_416 : i32
        %mul3A_418 = arith.constant 40 : i32
        %mul3A_419 = arith.muli %sub3A_417, %mul3A_418 : i32
        %dma_start3A_420 = arith.constant 1 : i32
        %dma_start3A_421 = arith.constant 1 : i32
        %dma_start3A_422 = arith.constant 0 : i32
        %dma_start3A_423 = arith.constant 0 : i32
        %dma_start3A_424 = tpu.memref_slice %arg5[%dma_start3A_420, %dma_start3A_422, %dma_start3A_423] : memref<2x40x1024xf32, #tpu.memory_space<vmem>> -> memref<1x40x1024xf32, #tpu.memory_space<vmem>>
        %dma_start3A_425 = tpu.memref_squeeze %dma_start3A_424 : memref<1x40x1024xf32, #tpu.memory_space<vmem>> -> memref<40x1024xf32, #tpu.memory_space<vmem>>
        %dma_start3A_426 = arith.constant 0 : i32
        %dma_start3A_427 = tpu.memref_slice %arg3[%select_n3A_414, %mul3A_419, %dma_start3A_426] : memref<26x1000x1024xf32, #tpu.memory_space<hbm>> -> memref<1x40x1024xf32, #tpu.memory_space<hbm>>
        %dma_start3A_428 = tpu.memref_squeeze %dma_start3A_427 : memref<1x40x1024xf32, #tpu.memory_space<hbm>> -> memref<40x1024xf32, #tpu.memory_space<hbm>>
        %dma_start3A_429 = tpu.memref_slice %arg6[%dma_start3A_421] : memref<4x!tpu.dma_semaphore, #tpu.memory_space<semaphore_mem>> -> memref<1x!tpu.dma_semaphore, #tpu.memory_space<semaphore_mem>>
        %dma_start3A_430 = tpu.memref_squeeze %dma_start3A_429 : memref<1x!tpu.dma_semaphore, #tpu.memory_space<semaphore_mem>> -> memref<!tpu.dma_semaphore, #tpu.memory_space<semaphore_mem>>
        %dma_start3A_431 = arith.constant 0 : i32
        %dma_start3A_432 = tpu.memref_slice %arg3[%select_n3A_414, %mul3A_419, %dma_start3A_431] : memref<26x1000x1024xf32, #tpu.memory_space<hbm>> -> memref<1x40x1024xf32, #tpu.memory_space<hbm>>
        %dma_start3A_433 = tpu.memref_squeeze %dma_start3A_432 : memref<1x40x1024xf32, #tpu.memory_space<hbm>> -> memref<40x1024xf32, #tpu.memory_space<hbm>>
        %dma_start3A_434 = arith.constant 0 : i32
        %dma_start3A_435 = arith.constant 0 : i32
        %dma_start3A_436 = tpu.memref_slice %arg5[%dma_start3A_420, %dma_start3A_434, %dma_start3A_435] : memref<2x40x1024xf32, #tpu.memory_space<vmem>> -> memref<1x40x1024xf32, #tpu.memory_space<vmem>>
        %dma_start3A_437 = tpu.memref_squeeze %dma_start3A_436 : memref<1x40x1024xf32, #tpu.memory_space<vmem>> -> memref<40x1024xf32, #tpu.memory_space<vmem>>
        tpu.enqueue_dma source(%dma_start3A_437 : memref<40x1024xf32, #tpu.memory_space<vmem>>) target(%dma_start3A_433 : memref<40x1024xf32, #tpu.memory_space<hbm>>) target_semaphore(%dma_start3A_430 : memref<!tpu.dma_semaphore, #tpu.memory_space<semaphore_mem>>)
      } else {
      }
      %eq3A_360 = arith.constant 2 : i32
      %eq3A_361 = arith.cmpi eq, %and3A_352, %eq3A_360 : i32
      %convert_element_type3A_362 = arith.extui %eq3A_361 : i1 to i32
      %cond3A_363 = arith.constant 0 : i32
      %cond3A_364 = arith.cmpi ne, %convert_element_type3A_362, %cond3A_363 : i32
      scf.if %cond3A_364 {
        %dma_wait3A_370 = arith.constant 0 : i32
        %dma_wait3A_371 = arith.constant 0 : i32
        %dma_wait3A_372 = arith.constant 2 : i32
        %dma_wait3A_373 = arith.constant 0 : i32
        %dma_wait3A_374 = arith.constant 0 : i32
        %dma_wait3A_375 = tpu.memref_slice %arg5[%dma_wait3A_370, %dma_wait3A_373, %dma_wait3A_374] : memref<2x40x1024xf32, #tpu.memory_space<vmem>> -> memref<1x40x1024xf32, #tpu.memory_space<vmem>>
        %dma_wait3A_376 = tpu.memref_squeeze %dma_wait3A_375 : memref<1x40x1024xf32, #tpu.memory_space<vmem>> -> memref<40x1024xf32, #tpu.memory_space<vmem>>
        %dma_wait3A_377 = arith.constant 0 : i32
        %dma_wait3A_378 = arith.constant 0 : i32
        %dma_wait3A_379 = tpu.memref_slice %arg3[%dma_wait3A_371, %dma_wait3A_377, %dma_wait3A_378] : memref<26x1000x1024xf32, #tpu.memory_space<hbm>> -> memref<1x40x1024xf32, #tpu.memory_space<hbm>>
        %dma_wait3A_380 = tpu.memref_squeeze %dma_wait3A_379 : memref<1x40x1024xf32, #tpu.memory_space<hbm>> -> memref<40x1024xf32, #tpu.memory_space<hbm>>
        %dma_wait3A_381 = tpu.memref_slice %arg6[%dma_wait3A_372] : memref<4x!tpu.dma_semaphore, #tpu.memory_space<semaphore_mem>> -> memref<1x!tpu.dma_semaphore, #tpu.memory_space<semaphore_mem>>
        %dma_wait3A_382 = tpu.memref_squeeze %dma_wait3A_381 : memref<1x!tpu.dma_semaphore, #tpu.memory_space<semaphore_mem>> -> memref<!tpu.dma_semaphore, #tpu.memory_space<semaphore_mem>>
        %dma_wait3A_383 = arith.constant 0 : i32
        %dma_wait3A_384 = arith.constant 0 : i32
        %dma_wait3A_385 = tpu.memref_slice %arg3[%dma_wait3A_371, %dma_wait3A_383, %dma_wait3A_384] : memref<26x1000x1024xf32, #tpu.memory_space<hbm>> -> memref<1x40x1024xf32, #tpu.memory_space<hbm>>
        %dma_wait3A_386 = tpu.memref_squeeze %dma_wait3A_385 : memref<1x40x1024xf32, #tpu.memory_space<hbm>> -> memref<40x1024xf32, #tpu.memory_space<hbm>>
        %dma_wait3A_387 = arith.constant 0 : i32
        %dma_wait3A_388 = arith.constant 0 : i32
        %dma_wait3A_389 = tpu.memref_slice %arg5[%dma_wait3A_370, %dma_wait3A_387, %dma_wait3A_388] : memref<2x40x1024xf32, #tpu.memory_space<vmem>> -> memref<1x40x1024xf32, #tpu.memory_space<vmem>>
        %dma_wait3A_390 = tpu.memref_squeeze %dma_wait3A_389 : memref<1x40x1024xf32, #tpu.memory_space<vmem>> -> memref<40x1024xf32, #tpu.memory_space<vmem>>
        tpu.wait_dma2 semaphore(%dma_wait3A_382 : memref<!tpu.dma_semaphore, #tpu.memory_space<semaphore_mem>>) src(%dma_wait3A_390 : memref<40x1024xf32, #tpu.memory_space<vmem>>) dst(%dma_wait3A_386 : memref<40x1024xf32, #tpu.memory_space<hbm>>)
        %jit3A_391 = arith.constant 25 : i32
        %div3A_392 = arith.divsi %while3A_349, %jit3A_391 : i32
        %sign3A_393 = arith.constant 0 : i32
        %sign3A_394 = arith.cmpi sgt, %while3A_349, %sign3A_393 : i32
        %sign3A_395 = arith.extui %sign3A_394 : i1 to i32
        %sign3A_396 = arith.constant 0 : i32
        %sign3A_397 = arith.cmpi slt, %while3A_349, %sign3A_396 : i32
        %sign3A_398 = arith.extui %sign3A_397 : i1 to i32
        %sign3A_399 = arith.subi %sign3A_395, %sign3A_398 : i32
        %sign3A_400 = arith.constant 0 : i32
        %sign3A_401 = arith.cmpi sgt, %jit3A_391, %sign3A_400 : i32
        %sign3A_402 = arith.extui %sign3A_401 : i1 to i32
        %sign3A_403 = arith.constant 0 : i32
        %sign3A_404 = arith.cmpi slt, %jit3A_391, %sign3A_403 : i32
        %sign3A_405 = arith.extui %sign3A_404 : i1 to i32
        %sign3A_406 = arith.subi %sign3A_402, %sign3A_405 : i32
        %ne3A_407 = arith.cmpi ne, %sign3A_399, %sign3A_406 : i32
        %rem3A_408 = arith.remsi %while3A_349, %jit3A_391 : i32
        %ne3A_409 = arith.constant 0 : i32
        %ne3A_410 = arith.cmpi ne, %rem3A_408, %ne3A_409 : i32
        %and3A_411 = arith.andi %ne3A_407, %ne3A_410 : i1
        %sub3A_412 = arith.constant 1 : i32
        %sub3A_413 = arith.subi %div3A_392, %sub3A_412 : i32
        %select_n3A_414 = arith.select %and3A_411, %sub3A_413, %div3A_392 : i32
        %mul3A_415 = arith.constant 25 : i32
        %mul3A_416 = arith.muli %select_n3A_414, %mul3A_415 : i32
        %sub3A_417 = arith.subi %while3A_349, %mul3A_416 : i32
        %mul3A_418 = arith.constant 40 : i32
        %mul3A_419 = arith.muli %sub3A_417, %mul3A_418 : i32
        %dma_start3A_420 = arith.constant 0 : i32
        %dma_start3A_421 = arith.constant 2 : i32
        %dma_start3A_422 = arith.constant 0 : i32
        %dma_start3A_423 = arith.constant 0 : i32
        %dma_start3A_424 = tpu.memref_slice %arg5[%dma_start3A_420, %dma_start3A_422, %dma_start3A_423] : memref<2x40x1024xf32, #tpu.memory_space<vmem>> -> memref<1x40x1024xf32, #tpu.memory_space<vmem>>
        %dma_start3A_425 = tpu.memref_squeeze %dma_start3A_424 : memref<1x40x1024xf32, #tpu.memory_space<vmem>> -> memref<40x1024xf32, #tpu.memory_space<vmem>>
        %dma_start3A_426 = arith.constant 0 : i32
        %dma_start3A_427 = tpu.memref_slice %arg3[%select_n3A_414, %mul3A_419, %dma_start3A_426] : memref<26x1000x1024xf32, #tpu.memory_space<hbm>> -> memref<1x40x1024xf32, #tpu.memory_space<hbm>>
        %dma_start3A_428 = tpu.memref_squeeze %dma_start3A_427 : memref<1x40x1024xf32, #tpu.memory_space<hbm>> -> memref<40x1024xf32, #tpu.memory_space<hbm>>
        %dma_start3A_429 = tpu.memref_slice %arg6[%dma_start3A_421] : memref<4x!tpu.dma_semaphore, #tpu.memory_space<semaphore_mem>> -> memref<1x!tpu.dma_semaphore, #tpu.memory_space<semaphore_mem>>
        %dma_start3A_430 = tpu.memref_squeeze %dma_start3A_429 : memref<1x!tpu.dma_semaphore, #tpu.memory_space<semaphore_mem>> -> memref<!tpu.dma_semaphore, #tpu.memory_space<semaphore_mem>>
        %dma_start3A_431 = arith.constant 0 : i32
        %dma_start3A_432 = tpu.memref_slice %arg3[%select_n3A_414, %mul3A_419, %dma_start3A_431] : memref<26x1000x1024xf32, #tpu.memory_space<hbm>> -> memref<1x40x1024xf32, #tpu.memory_space<hbm>>
        %dma_start3A_433 = tpu.memref_squeeze %dma_start3A_432 : memref<1x40x1024xf32, #tpu.memory_space<hbm>> -> memref<40x1024xf32, #tpu.memory_space<hbm>>
        %dma_start3A_434 = arith.constant 0 : i32
        %dma_start3A_435 = arith.constant 0 : i32
        %dma_start3A_436 = tpu.memref_slice %arg5[%dma_start3A_420, %dma_start3A_434, %dma_start3A_435] : memref<2x40x1024xf32, #tpu.memory_space<vmem>> -> memref<1x40x1024xf32, #tpu.memory_space<vmem>>
        %dma_start3A_437 = tpu.memref_squeeze %dma_start3A_436 : memref<1x40x1024xf32, #tpu.memory_space<vmem>> -> memref<40x1024xf32, #tpu.memory_space<vmem>>
        tpu.enqueue_dma source(%dma_start3A_437 : memref<40x1024xf32, #tpu.memory_space<vmem>>) target(%dma_start3A_433 : memref<40x1024xf32, #tpu.memory_space<hbm>>) target_semaphore(%dma_start3A_430 : memref<!tpu.dma_semaphore, #tpu.memory_space<semaphore_mem>>)
      } else {
      }
      %eq3A_365 = arith.constant 3 : i32
      %eq3A_366 = arith.cmpi eq, %and3A_352, %eq3A_365 : i32
      %convert_element_type3A_367 = arith.extui %eq3A_366 : i1 to i32
      %cond3A_368 = arith.constant 0 : i32
      %cond3A_369 = arith.cmpi ne, %convert_element_type3A_367, %cond3A_368 : i32
      scf.if %cond3A_369 {
        %dma_wait3A_370 = arith.constant 1 : i32
        %dma_wait3A_371 = arith.constant 0 : i32
        %dma_wait3A_372 = arith.constant 3 : i32
        %dma_wait3A_373 = arith.constant 0 : i32
        %dma_wait3A_374 = arith.constant 0 : i32
        %dma_wait3A_375 = tpu.memref_slice %arg5[%dma_wait3A_370, %dma_wait3A_373, %dma_wait3A_374] : memref<2x40x1024xf32, #tpu.memory_space<vmem>> -> memref<1x40x1024xf32, #tpu.memory_space<vmem>>
        %dma_wait3A_376 = tpu.memref_squeeze %dma_wait3A_375 : memref<1x40x1024xf32, #tpu.memory_space<vmem>> -> memref<40x1024xf32, #tpu.memory_space<vmem>>
        %dma_wait3A_377 = arith.constant 0 : i32
        %dma_wait3A_378 = arith.constant 0 : i32
        %dma_wait3A_379 = tpu.memref_slice %arg3[%dma_wait3A_371, %dma_wait3A_377, %dma_wait3A_378] : memref<26x1000x1024xf32, #tpu.memory_space<hbm>> -> memref<1x40x1024xf32, #tpu.memory_space<hbm>>
        %dma_wait3A_380 = tpu.memref_squeeze %dma_wait3A_379 : memref<1x40x1024xf32, #tpu.memory_space<hbm>> -> memref<40x1024xf32, #tpu.memory_space<hbm>>
        %dma_wait3A_381 = tpu.memref_slice %arg6[%dma_wait3A_372] : memref<4x!tpu.dma_semaphore, #tpu.memory_space<semaphore_mem>> -> memref<1x!tpu.dma_semaphore, #tpu.memory_space<semaphore_mem>>
        %dma_wait3A_382 = tpu.memref_squeeze %dma_wait3A_381 : memref<1x!tpu.dma_semaphore, #tpu.memory_space<semaphore_mem>> -> memref<!tpu.dma_semaphore, #tpu.memory_space<semaphore_mem>>
        %dma_wait3A_383 = arith.constant 0 : i32
        %dma_wait3A_384 = arith.constant 0 : i32
        %dma_wait3A_385 = tpu.memref_slice %arg3[%dma_wait3A_371, %dma_wait3A_383, %dma_wait3A_384] : memref<26x1000x1024xf32, #tpu.memory_space<hbm>> -> memref<1x40x1024xf32, #tpu.memory_space<hbm>>
        %dma_wait3A_386 = tpu.memref_squeeze %dma_wait3A_385 : memref<1x40x1024xf32, #tpu.memory_space<hbm>> -> memref<40x1024xf32, #tpu.memory_space<hbm>>
        %dma_wait3A_387 = arith.constant 0 : i32
        %dma_wait3A_388 = arith.constant 0 : i32
        %dma_wait3A_389 = tpu.memref_slice %arg5[%dma_wait3A_370, %dma_wait3A_387, %dma_wait3A_388] : memref<2x40x1024xf32, #tpu.memory_space<vmem>> -> memref<1x40x1024xf32, #tpu.memory_space<vmem>>
        %dma_wait3A_390 = tpu.memref_squeeze %dma_wait3A_389 : memref<1x40x1024xf32, #tpu.memory_space<vmem>> -> memref<40x1024xf32, #tpu.memory_space<vmem>>
        tpu.wait_dma2 semaphore(%dma_wait3A_382 : memref<!tpu.dma_semaphore, #tpu.memory_space<semaphore_mem>>) src(%dma_wait3A_390 : memref<40x1024xf32, #tpu.memory_space<vmem>>) dst(%dma_wait3A_386 : memref<40x1024xf32, #tpu.memory_space<hbm>>)
        %jit3A_391 = arith.constant 25 : i32
        %div3A_392 = arith.divsi %while3A_349, %jit3A_391 : i32
        %sign3A_393 = arith.constant 0 : i32
        %sign3A_394 = arith.cmpi sgt, %while3A_349, %sign3A_393 : i32
        %sign3A_395 = arith.extui %sign3A_394 : i1 to i32
        %sign3A_396 = arith.constant 0 : i32
        %sign3A_397 = arith.cmpi slt, %while3A_349, %sign3A_396 : i32
        %sign3A_398 = arith.extui %sign3A_397 : i1 to i32
        %sign3A_399 = arith.subi %sign3A_395, %sign3A_398 : i32
        %sign3A_400 = arith.constant 0 : i32
        %sign3A_401 = arith.cmpi sgt, %jit3A_391, %sign3A_400 : i32
        %sign3A_402 = arith.extui %sign3A_401 : i1 to i32
        %sign3A_403 = arith.constant 0 : i32
        %sign3A_404 = arith.cmpi slt, %jit3A_391, %sign3A_403 : i32
        %sign3A_405 = arith.extui %sign3A_404 : i1 to i32
        %sign3A_406 = arith.subi %sign3A_402, %sign3A_405 : i32
        %ne3A_407 = arith.cmpi ne, %sign3A_399, %sign3A_406 : i32
        %rem3A_408 = arith.remsi %while3A_349, %jit3A_391 : i32
        %ne3A_409 = arith.constant 0 : i32
        %ne3A_410 = arith.cmpi ne, %rem3A_408, %ne3A_409 : i32
        %and3A_411 = arith.andi %ne3A_407, %ne3A_410 : i1
        %sub3A_412 = arith.constant 1 : i32
        %sub3A_413 = arith.subi %div3A_392, %sub3A_412 : i32
        %select_n3A_414 = arith.select %and3A_411, %sub3A_413, %div3A_392 : i32
        %mul3A_415 = arith.constant 25 : i32
        %mul3A_416 = arith.muli %select_n3A_414, %mul3A_415 : i32
        %sub3A_417 = arith.subi %while3A_349, %mul3A_416 : i32
        %mul3A_418 = arith.constant 40 : i32
        %mul3A_419 = arith.muli %sub3A_417, %mul3A_418 : i32
        %dma_start3A_420 = arith.constant 1 : i32
        %dma_start3A_421 = arith.constant 3 : i32
        %dma_start3A_422 = arith.constant 0 : i32
        %dma_start3A_423 = arith.constant 0 : i32
        %dma_start3A_424 = tpu.memref_slice %arg5[%dma_start3A_420, %dma_start3A_422, %dma_start3A_423] : memref<2x40x1024xf32, #tpu.memory_space<vmem>> -> memref<1x40x1024xf32, #tpu.memory_space<vmem>>
        %dma_start3A_425 = tpu.memref_squeeze %dma_start3A_424 : memref<1x40x1024xf32, #tpu.memory_space<vmem>> -> memref<40x1024xf32, #tpu.memory_space<vmem>>
        %dma_start3A_426 = arith.constant 0 : i32
        %dma_start3A_427 = tpu.memref_slice %arg3[%select_n3A_414, %mul3A_419, %dma_start3A_426] : memref<26x1000x1024xf32, #tpu.memory_space<hbm>> -> memref<1x40x1024xf32, #tpu.memory_space<hbm>>
        %dma_start3A_428 = tpu.memref_squeeze %dma_start3A_427 : memref<1x40x1024xf32, #tpu.memory_space<hbm>> -> memref<40x1024xf32, #tpu.memory_space<hbm>>
        %dma_start3A_429 = tpu.memref_slice %arg6[%dma_start3A_421] : memref<4x!tpu.dma_semaphore, #tpu.memory_space<semaphore_mem>> -> memref<1x!tpu.dma_semaphore, #tpu.memory_space<semaphore_mem>>
        %dma_start3A_430 = tpu.memref_squeeze %dma_start3A_429 : memref<1x!tpu.dma_semaphore, #tpu.memory_space<semaphore_mem>> -> memref<!tpu.dma_semaphore, #tpu.memory_space<semaphore_mem>>
        %dma_start3A_431 = arith.constant 0 : i32
        %dma_start3A_432 = tpu.memref_slice %arg3[%select_n3A_414, %mul3A_419, %dma_start3A_431] : memref<26x1000x1024xf32, #tpu.memory_space<hbm>> -> memref<1x40x1024xf32, #tpu.memory_space<hbm>>
        %dma_start3A_433 = tpu.memref_squeeze %dma_start3A_432 : memref<1x40x1024xf32, #tpu.memory_space<hbm>> -> memref<40x1024xf32, #tpu.memory_space<hbm>>
        %dma_start3A_434 = arith.constant 0 : i32
        %dma_start3A_435 = arith.constant 0 : i32
        %dma_start3A_436 = tpu.memref_slice %arg5[%dma_start3A_420, %dma_start3A_434, %dma_start3A_435] : memref<2x40x1024xf32, #tpu.memory_space<vmem>> -> memref<1x40x1024xf32, #tpu.memory_space<vmem>>
        %dma_start3A_437 = tpu.memref_squeeze %dma_start3A_436 : memref<1x40x1024xf32, #tpu.memory_space<vmem>> -> memref<40x1024xf32, #tpu.memory_space<vmem>>
        tpu.enqueue_dma source(%dma_start3A_437 : memref<40x1024xf32, #tpu.memory_space<vmem>>) target(%dma_start3A_433 : memref<40x1024xf32, #tpu.memory_space<hbm>>) target_semaphore(%dma_start3A_430 : memref<!tpu.dma_semaphore, #tpu.memory_space<semaphore_mem>>)
      } else {
      }
    }
    %while3A_265 = arith.constant 1 : i32
    scf.for %while3A_349 = %while3A_263 to %while3A_259 step %while3A_265  : i32 {
      %sub3A_350 = arith.subi %while3A_349, %select_n3A : i32
      %and3A_351 = arith.constant 3 : i32
      %and3A_352 = arith.andi %sub3A_350, %and3A_351 : i32
      %eq3A = arith.constant 0 : i32
      %eq3A_353 = arith.cmpi eq, %and3A_352, %eq3A : i32
      %convert_element_type3A = arith.extui %eq3A_353 : i1 to i32
      %cond3A = arith.constant 0 : i32
      %cond3A_354 = arith.cmpi ne, %convert_element_type3A, %cond3A : i32
      scf.if %cond3A_354 {
        %dma_wait3A_370 = arith.constant 0 : i32
        %dma_wait3A_371 = arith.constant 0 : i32
        %dma_wait3A_372 = arith.constant 0 : i32
        %dma_wait3A_373 = arith.constant 0 : i32
        %dma_wait3A_374 = arith.constant 0 : i32
        %dma_wait3A_375 = tpu.memref_slice %arg5[%dma_wait3A_370, %dma_wait3A_373, %dma_wait3A_374] : memref<2x40x1024xf32, #tpu.memory_space<vmem>> -> memref<1x40x1024xf32, #tpu.memory_space<vmem>>
        %dma_wait3A_376 = tpu.memref_squeeze %dma_wait3A_375 : memref<1x40x1024xf32, #tpu.memory_space<vmem>> -> memref<40x1024xf32, #tpu.memory_space<vmem>>
        %dma_wait3A_377 = arith.constant 0 : i32
        %dma_wait3A_378 = arith.constant 0 : i32
        %dma_wait3A_379 = tpu.memref_slice %arg3[%dma_wait3A_371, %dma_wait3A_377, %dma_wait3A_378] : memref<26x1000x1024xf32, #tpu.memory_space<hbm>> -> memref<1x40x1024xf32, #tpu.memory_space<hbm>>
        %dma_wait3A_380 = tpu.memref_squeeze %dma_wait3A_379 : memref<1x40x1024xf32, #tpu.memory_space<hbm>> -> memref<40x1024xf32, #tpu.memory_space<hbm>>
        %dma_wait3A_381 = tpu.memref_slice %arg6[%dma_wait3A_372] : memref<4x!tpu.dma_semaphore, #tpu.memory_space<semaphore_mem>> -> memref<1x!tpu.dma_semaphore, #tpu.memory_space<semaphore_mem>>
        %dma_wait3A_382 = tpu.memref_squeeze %dma_wait3A_381 : memref<1x!tpu.dma_semaphore, #tpu.memory_space<semaphore_mem>> -> memref<!tpu.dma_semaphore, #tpu.memory_space<semaphore_mem>>
        %dma_wait3A_383 = arith.constant 0 : i32
        %dma_wait3A_384 = arith.constant 0 : i32
        %dma_wait3A_385 = tpu.memref_slice %arg3[%dma_wait3A_371, %dma_wait3A_383, %dma_wait3A_384] : memref<26x1000x1024xf32, #tpu.memory_space<hbm>> -> memref<1x40x1024xf32, #tpu.memory_space<hbm>>
        %dma_wait3A_386 = tpu.memref_squeeze %dma_wait3A_385 : memref<1x40x1024xf32, #tpu.memory_space<hbm>> -> memref<40x1024xf32, #tpu.memory_space<hbm>>
        %dma_wait3A_387 = arith.constant 0 : i32
        %dma_wait3A_388 = arith.constant 0 : i32
        %dma_wait3A_389 = tpu.memref_slice %arg5[%dma_wait3A_370, %dma_wait3A_387, %dma_wait3A_388] : memref<2x40x1024xf32, #tpu.memory_space<vmem>> -> memref<1x40x1024xf32, #tpu.memory_space<vmem>>
        %dma_wait3A_390 = tpu.memref_squeeze %dma_wait3A_389 : memref<1x40x1024xf32, #tpu.memory_space<vmem>> -> memref<40x1024xf32, #tpu.memory_space<vmem>>
        tpu.wait_dma2 semaphore(%dma_wait3A_382 : memref<!tpu.dma_semaphore, #tpu.memory_space<semaphore_mem>>) src(%dma_wait3A_390 : memref<40x1024xf32, #tpu.memory_space<vmem>>) dst(%dma_wait3A_386 : memref<40x1024xf32, #tpu.memory_space<hbm>>)
        %jit3A_391 = arith.constant 25 : i32
        %div3A_392 = arith.divsi %while3A_349, %jit3A_391 : i32
        %sign3A_393 = arith.constant 0 : i32
        %sign3A_394 = arith.cmpi sgt, %while3A_349, %sign3A_393 : i32
        %sign3A_395 = arith.extui %sign3A_394 : i1 to i32
        %sign3A_396 = arith.constant 0 : i32
        %sign3A_397 = arith.cmpi slt, %while3A_349, %sign3A_396 : i32
        %sign3A_398 = arith.extui %sign3A_397 : i1 to i32
        %sign3A_399 = arith.subi %sign3A_395, %sign3A_398 : i32
        %sign3A_400 = arith.constant 0 : i32
        %sign3A_401 = arith.cmpi sgt, %jit3A_391, %sign3A_400 : i32
        %sign3A_402 = arith.extui %sign3A_401 : i1 to i32
        %sign3A_403 = arith.constant 0 : i32
        %sign3A_404 = arith.cmpi slt, %jit3A_391, %sign3A_403 : i32
        %sign3A_405 = arith.extui %sign3A_404 : i1 to i32
        %sign3A_406 = arith.subi %sign3A_402, %sign3A_405 : i32
        %ne3A_407 = arith.cmpi ne, %sign3A_399, %sign3A_406 : i32
        %rem3A_408 = arith.remsi %while3A_349, %jit3A_391 : i32
        %ne3A_409 = arith.constant 0 : i32
        %ne3A_410 = arith.cmpi ne, %rem3A_408, %ne3A_409 : i32
        %and3A_411 = arith.andi %ne3A_407, %ne3A_410 : i1
        %sub3A_412 = arith.constant 1 : i32
        %sub3A_413 = arith.subi %div3A_392, %sub3A_412 : i32
        %select_n3A_414 = arith.select %and3A_411, %sub3A_413, %div3A_392 : i32
        %mul3A_415 = arith.constant 25 : i32
        %mul3A_416 = arith.muli %select_n3A_414, %mul3A_415 : i32
        %sub3A_417 = arith.subi %while3A_349, %mul3A_416 : i32
        %mul3A_418 = arith.constant 40 : i32
        %mul3A_419 = arith.muli %sub3A_417, %mul3A_418 : i32
        %dma_start3A_420 = arith.constant 0 : i32
        %dma_start3A_421 = arith.constant 0 : i32
        %dma_start3A_422 = arith.constant 0 : i32
        %dma_start3A_423 = arith.constant 0 : i32
        %dma_start3A_424 = tpu.memref_slice %arg5[%dma_start3A_420, %dma_start3A_422, %dma_start3A_423] : memref<2x40x1024xf32, #tpu.memory_space<vmem>> -> memref<1x40x1024xf32, #tpu.memory_space<vmem>>
        %dma_start3A_425 = tpu.memref_squeeze %dma_start3A_424 : memref<1x40x1024xf32, #tpu.memory_space<vmem>> -> memref<40x1024xf32, #tpu.memory_space<vmem>>
        %dma_start3A_426 = arith.constant 0 : i32
        %dma_start3A_427 = tpu.memref_slice %arg3[%select_n3A_414, %mul3A_419, %dma_start3A_426] : memref<26x1000x1024xf32, #tpu.memory_space<hbm>> -> memref<1x40x1024xf32, #tpu.memory_space<hbm>>
        %dma_start3A_428 = tpu.memref_squeeze %dma_start3A_427 : memref<1x40x1024xf32, #tpu.memory_space<hbm>> -> memref<40x1024xf32, #tpu.memory_space<hbm>>
        %dma_start3A_429 = tpu.memref_slice %arg6[%dma_start3A_421] : memref<4x!tpu.dma_semaphore, #tpu.memory_space<semaphore_mem>> -> memref<1x!tpu.dma_semaphore, #tpu.memory_space<semaphore_mem>>
        %dma_start3A_430 = tpu.memref_squeeze %dma_start3A_429 : memref<1x!tpu.dma_semaphore, #tpu.memory_space<semaphore_mem>> -> memref<!tpu.dma_semaphore, #tpu.memory_space<semaphore_mem>>
        %dma_start3A_431 = arith.constant 0 : i32
        %dma_start3A_432 = tpu.memref_slice %arg3[%select_n3A_414, %mul3A_419, %dma_start3A_431] : memref<26x1000x1024xf32, #tpu.memory_space<hbm>> -> memref<1x40x1024xf32, #tpu.memory_space<hbm>>
        %dma_start3A_433 = tpu.memref_squeeze %dma_start3A_432 : memref<1x40x1024xf32, #tpu.memory_space<hbm>> -> memref<40x1024xf32, #tpu.memory_space<hbm>>
        %dma_start3A_434 = arith.constant 0 : i32
        %dma_start3A_435 = arith.constant 0 : i32
        %dma_start3A_436 = tpu.memref_slice %arg5[%dma_start3A_420, %dma_start3A_434, %dma_start3A_435] : memref<2x40x1024xf32, #tpu.memory_space<vmem>> -> memref<1x40x1024xf32, #tpu.memory_space<vmem>>
        %dma_start3A_437 = tpu.memref_squeeze %dma_start3A_436 : memref<1x40x1024xf32, #tpu.memory_space<vmem>> -> memref<40x1024xf32, #tpu.memory_space<vmem>>
        tpu.enqueue_dma source(%dma_start3A_437 : memref<40x1024xf32, #tpu.memory_space<vmem>>) target(%dma_start3A_433 : memref<40x1024xf32, #tpu.memory_space<hbm>>) target_semaphore(%dma_start3A_430 : memref<!tpu.dma_semaphore, #tpu.memory_space<semaphore_mem>>)
      } else {
      }
      %eq3A_355 = arith.constant 1 : i32
      %eq3A_356 = arith.cmpi eq, %and3A_352, %eq3A_355 : i32
      %convert_element_type3A_357 = arith.extui %eq3A_356 : i1 to i32
      %cond3A_358 = arith.constant 0 : i32
      %cond3A_359 = arith.cmpi ne, %convert_element_type3A_357, %cond3A_358 : i32
      scf.if %cond3A_359 {
        %dma_wait3A_370 = arith.constant 1 : i32
        %dma_wait3A_371 = arith.constant 0 : i32
        %dma_wait3A_372 = arith.constant 1 : i32
        %dma_wait3A_373 = arith.constant 0 : i32
        %dma_wait3A_374 = arith.constant 0 : i32
        %dma_wait3A_375 = tpu.memref_slice %arg5[%dma_wait3A_370, %dma_wait3A_373, %dma_wait3A_374] : memref<2x40x1024xf32, #tpu.memory_space<vmem>> -> memref<1x40x1024xf32, #tpu.memory_space<vmem>>
        %dma_wait3A_376 = tpu.memref_squeeze %dma_wait3A_375 : memref<1x40x1024xf32, #tpu.memory_space<vmem>> -> memref<40x1024xf32, #tpu.memory_space<vmem>>
        %dma_wait3A_377 = arith.constant 0 : i32
        %dma_wait3A_378 = arith.constant 0 : i32
        %dma_wait3A_379 = tpu.memref_slice %arg3[%dma_wait3A_371, %dma_wait3A_377, %dma_wait3A_378] : memref<26x1000x1024xf32, #tpu.memory_space<hbm>> -> memref<1x40x1024xf32, #tpu.memory_space<hbm>>
        %dma_wait3A_380 = tpu.memref_squeeze %dma_wait3A_379 : memref<1x40x1024xf32, #tpu.memory_space<hbm>> -> memref<40x1024xf32, #tpu.memory_space<hbm>>
        %dma_wait3A_381 = tpu.memref_slice %arg6[%dma_wait3A_372] : memref<4x!tpu.dma_semaphore, #tpu.memory_space<semaphore_mem>> -> memref<1x!tpu.dma_semaphore, #tpu.memory_space<semaphore_mem>>
        %dma_wait3A_382 = tpu.memref_squeeze %dma_wait3A_381 : memref<1x!tpu.dma_semaphore, #tpu.memory_space<semaphore_mem>> -> memref<!tpu.dma_semaphore, #tpu.memory_space<semaphore_mem>>
        %dma_wait3A_383 = arith.constant 0 : i32
        %dma_wait3A_384 = arith.constant 0 : i32
        %dma_wait3A_385 = tpu.memref_slice %arg3[%dma_wait3A_371, %dma_wait3A_383, %dma_wait3A_384] : memref<26x1000x1024xf32, #tpu.memory_space<hbm>> -> memref<1x40x1024xf32, #tpu.memory_space<hbm>>
        %dma_wait3A_386 = tpu.memref_squeeze %dma_wait3A_385 : memref<1x40x1024xf32, #tpu.memory_space<hbm>> -> memref<40x1024xf32, #tpu.memory_space<hbm>>
        %dma_wait3A_387 = arith.constant 0 : i32
        %dma_wait3A_388 = arith.constant 0 : i32
        %dma_wait3A_389 = tpu.memref_slice %arg5[%dma_wait3A_370, %dma_wait3A_387, %dma_wait3A_388] : memref<2x40x1024xf32, #tpu.memory_space<vmem>> -> memref<1x40x1024xf32, #tpu.memory_space<vmem>>
        %dma_wait3A_390 = tpu.memref_squeeze %dma_wait3A_389 : memref<1x40x1024xf32, #tpu.memory_space<vmem>> -> memref<40x1024xf32, #tpu.memory_space<vmem>>
        tpu.wait_dma2 semaphore(%dma_wait3A_382 : memref<!tpu.dma_semaphore, #tpu.memory_space<semaphore_mem>>) src(%dma_wait3A_390 : memref<40x1024xf32, #tpu.memory_space<vmem>>) dst(%dma_wait3A_386 : memref<40x1024xf32, #tpu.memory_space<hbm>>)
        %jit3A_391 = arith.constant 25 : i32
        %div3A_392 = arith.divsi %while3A_349, %jit3A_391 : i32
        %sign3A_393 = arith.constant 0 : i32
        %sign3A_394 = arith.cmpi sgt, %while3A_349, %sign3A_393 : i32
        %sign3A_395 = arith.extui %sign3A_394 : i1 to i32
        %sign3A_396 = arith.constant 0 : i32
        %sign3A_397 = arith.cmpi slt, %while3A_349, %sign3A_396 : i32
        %sign3A_398 = arith.extui %sign3A_397 : i1 to i32
        %sign3A_399 = arith.subi %sign3A_395, %sign3A_398 : i32
        %sign3A_400 = arith.constant 0 : i32
        %sign3A_401 = arith.cmpi sgt, %jit3A_391, %sign3A_400 : i32
        %sign3A_402 = arith.extui %sign3A_401 : i1 to i32
        %sign3A_403 = arith.constant 0 : i32
        %sign3A_404 = arith.cmpi slt, %jit3A_391, %sign3A_403 : i32
        %sign3A_405 = arith.extui %sign3A_404 : i1 to i32
        %sign3A_406 = arith.subi %sign3A_402, %sign3A_405 : i32
        %ne3A_407 = arith.cmpi ne, %sign3A_399, %sign3A_406 : i32
        %rem3A_408 = arith.remsi %while3A_349, %jit3A_391 : i32
        %ne3A_409 = arith.constant 0 : i32
        %ne3A_410 = arith.cmpi ne, %rem3A_408, %ne3A_409 : i32
        %and3A_411 = arith.andi %ne3A_407, %ne3A_410 : i1
        %sub3A_412 = arith.constant 1 : i32
        %sub3A_413 = arith.subi %div3A_392, %sub3A_412 : i32
        %select_n3A_414 = arith.select %and3A_411, %sub3A_413, %div3A_392 : i32
        %mul3A_415 = arith.constant 25 : i32
        %mul3A_416 = arith.muli %select_n3A_414, %mul3A_415 : i32
        %sub3A_417 = arith.subi %while3A_349, %mul3A_416 : i32
        %mul3A_418 = arith.constant 40 : i32
        %mul3A_419 = arith.muli %sub3A_417, %mul3A_418 : i32
        %dma_start3A_420 = arith.constant 1 : i32
        %dma_start3A_421 = arith.constant 1 : i32
        %dma_start3A_422 = arith.constant 0 : i32
        %dma_start3A_423 = arith.constant 0 : i32
        %dma_start3A_424 = tpu.memref_slice %arg5[%dma_start3A_420, %dma_start3A_422, %dma_start3A_423] : memref<2x40x1024xf32, #tpu.memory_space<vmem>> -> memref<1x40x1024xf32, #tpu.memory_space<vmem>>
        %dma_start3A_425 = tpu.memref_squeeze %dma_start3A_424 : memref<1x40x1024xf32, #tpu.memory_space<vmem>> -> memref<40x1024xf32, #tpu.memory_space<vmem>>
        %dma_start3A_426 = arith.constant 0 : i32
        %dma_start3A_427 = tpu.memref_slice %arg3[%select_n3A_414, %mul3A_419, %dma_start3A_426] : memref<26x1000x1024xf32, #tpu.memory_space<hbm>> -> memref<1x40x1024xf32, #tpu.memory_space<hbm>>
        %dma_start3A_428 = tpu.memref_squeeze %dma_start3A_427 : memref<1x40x1024xf32, #tpu.memory_space<hbm>> -> memref<40x1024xf32, #tpu.memory_space<hbm>>
        %dma_start3A_429 = tpu.memref_slice %arg6[%dma_start3A_421] : memref<4x!tpu.dma_semaphore, #tpu.memory_space<semaphore_mem>> -> memref<1x!tpu.dma_semaphore, #tpu.memory_space<semaphore_mem>>
        %dma_start3A_430 = tpu.memref_squeeze %dma_start3A_429 : memref<1x!tpu.dma_semaphore, #tpu.memory_space<semaphore_mem>> -> memref<!tpu.dma_semaphore, #tpu.memory_space<semaphore_mem>>
        %dma_start3A_431 = arith.constant 0 : i32
        %dma_start3A_432 = tpu.memref_slice %arg3[%select_n3A_414, %mul3A_419, %dma_start3A_431] : memref<26x1000x1024xf32, #tpu.memory_space<hbm>> -> memref<1x40x1024xf32, #tpu.memory_space<hbm>>
        %dma_start3A_433 = tpu.memref_squeeze %dma_start3A_432 : memref<1x40x1024xf32, #tpu.memory_space<hbm>> -> memref<40x1024xf32, #tpu.memory_space<hbm>>
        %dma_start3A_434 = arith.constant 0 : i32
        %dma_start3A_435 = arith.constant 0 : i32
        %dma_start3A_436 = tpu.memref_slice %arg5[%dma_start3A_420, %dma_start3A_434, %dma_start3A_435] : memref<2x40x1024xf32, #tpu.memory_space<vmem>> -> memref<1x40x1024xf32, #tpu.memory_space<vmem>>
        %dma_start3A_437 = tpu.memref_squeeze %dma_start3A_436 : memref<1x40x1024xf32, #tpu.memory_space<vmem>> -> memref<40x1024xf32, #tpu.memory_space<vmem>>
        tpu.enqueue_dma source(%dma_start3A_437 : memref<40x1024xf32, #tpu.memory_space<vmem>>) target(%dma_start3A_433 : memref<40x1024xf32, #tpu.memory_space<hbm>>) target_semaphore(%dma_start3A_430 : memref<!tpu.dma_semaphore, #tpu.memory_space<semaphore_mem>>)
      } else {
      }
      %eq3A_360 = arith.constant 2 : i32
      %eq3A_361 = arith.cmpi eq, %and3A_352, %eq3A_360 : i32
      %convert_element_type3A_362 = arith.extui %eq3A_361 : i1 to i32
      %cond3A_363 = arith.constant 0 : i32
      %cond3A_364 = arith.cmpi ne, %convert_element_type3A_362, %cond3A_363 : i32
      scf.if %cond3A_364 {
        %dma_wait3A_370 = arith.constant 0 : i32
        %dma_wait3A_371 = arith.constant 0 : i32
        %dma_wait3A_372 = arith.constant 2 : i32
        %dma_wait3A_373 = arith.constant 0 : i32
        %dma_wait3A_374 = arith.constant 0 : i32
        %dma_wait3A_375 = tpu.memref_slice %arg5[%dma_wait3A_370, %dma_wait3A_373, %dma_wait3A_374] : memref<2x40x1024xf32, #tpu.memory_space<vmem>> -> memref<1x40x1024xf32, #tpu.memory_space<vmem>>
        %dma_wait3A_376 = tpu.memref_squeeze %dma_wait3A_375 : memref<1x40x1024xf32, #tpu.memory_space<vmem>> -> memref<40x1024xf32, #tpu.memory_space<vmem>>
        %dma_wait3A_377 = arith.constant 0 : i32
        %dma_wait3A_378 = arith.constant 0 : i32
        %dma_wait3A_379 = tpu.memref_slice %arg3[%dma_wait3A_371, %dma_wait3A_377, %dma_wait3A_378] : memref<26x1000x1024xf32, #tpu.memory_space<hbm>> -> memref<1x40x1024xf32, #tpu.memory_space<hbm>>
        %dma_wait3A_380 = tpu.memref_squeeze %dma_wait3A_379 : memref<1x40x1024xf32, #tpu.memory_space<hbm>> -> memref<40x1024xf32, #tpu.memory_space<hbm>>
        %dma_wait3A_381 = tpu.memref_slice %arg6[%dma_wait3A_372] : memref<4x!tpu.dma_semaphore, #tpu.memory_space<semaphore_mem>> -> memref<1x!tpu.dma_semaphore, #tpu.memory_space<semaphore_mem>>
        %dma_wait3A_382 = tpu.memref_squeeze %dma_wait3A_381 : memref<1x!tpu.dma_semaphore, #tpu.memory_space<semaphore_mem>> -> memref<!tpu.dma_semaphore, #tpu.memory_space<semaphore_mem>>
        %dma_wait3A_383 = arith.constant 0 : i32
        %dma_wait3A_384 = arith.constant 0 : i32
        %dma_wait3A_385 = tpu.memref_slice %arg3[%dma_wait3A_371, %dma_wait3A_383, %dma_wait3A_384] : memref<26x1000x1024xf32, #tpu.memory_space<hbm>> -> memref<1x40x1024xf32, #tpu.memory_space<hbm>>
        %dma_wait3A_386 = tpu.memref_squeeze %dma_wait3A_385 : memref<1x40x1024xf32, #tpu.memory_space<hbm>> -> memref<40x1024xf32, #tpu.memory_space<hbm>>
        %dma_wait3A_387 = arith.constant 0 : i32
        %dma_wait3A_388 = arith.constant 0 : i32
        %dma_wait3A_389 = tpu.memref_slice %arg5[%dma_wait3A_370, %dma_wait3A_387, %dma_wait3A_388] : memref<2x40x1024xf32, #tpu.memory_space<vmem>> -> memref<1x40x1024xf32, #tpu.memory_space<vmem>>
        %dma_wait3A_390 = tpu.memref_squeeze %dma_wait3A_389 : memref<1x40x1024xf32, #tpu.memory_space<vmem>> -> memref<40x1024xf32, #tpu.memory_space<vmem>>
        tpu.wait_dma2 semaphore(%dma_wait3A_382 : memref<!tpu.dma_semaphore, #tpu.memory_space<semaphore_mem>>) src(%dma_wait3A_390 : memref<40x1024xf32, #tpu.memory_space<vmem>>) dst(%dma_wait3A_386 : memref<40x1024xf32, #tpu.memory_space<hbm>>)
        %jit3A_391 = arith.constant 25 : i32
        %div3A_392 = arith.divsi %while3A_349, %jit3A_391 : i32
        %sign3A_393 = arith.constant 0 : i32
        %sign3A_394 = arith.cmpi sgt, %while3A_349, %sign3A_393 : i32
        %sign3A_395 = arith.extui %sign3A_394 : i1 to i32
        %sign3A_396 = arith.constant 0 : i32
        %sign3A_397 = arith.cmpi slt, %while3A_349, %sign3A_396 : i32
        %sign3A_398 = arith.extui %sign3A_397 : i1 to i32
        %sign3A_399 = arith.subi %sign3A_395, %sign3A_398 : i32
        %sign3A_400 = arith.constant 0 : i32
        %sign3A_401 = arith.cmpi sgt, %jit3A_391, %sign3A_400 : i32
        %sign3A_402 = arith.extui %sign3A_401 : i1 to i32
        %sign3A_403 = arith.constant 0 : i32
        %sign3A_404 = arith.cmpi slt, %jit3A_391, %sign3A_403 : i32
        %sign3A_405 = arith.extui %sign3A_404 : i1 to i32
        %sign3A_406 = arith.subi %sign3A_402, %sign3A_405 : i32
        %ne3A_407 = arith.cmpi ne, %sign3A_399, %sign3A_406 : i32
        %rem3A_408 = arith.remsi %while3A_349, %jit3A_391 : i32
        %ne3A_409 = arith.constant 0 : i32
        %ne3A_410 = arith.cmpi ne, %rem3A_408, %ne3A_409 : i32
        %and3A_411 = arith.andi %ne3A_407, %ne3A_410 : i1
        %sub3A_412 = arith.constant 1 : i32
        %sub3A_413 = arith.subi %div3A_392, %sub3A_412 : i32
        %select_n3A_414 = arith.select %and3A_411, %sub3A_413, %div3A_392 : i32
        %mul3A_415 = arith.constant 25 : i32
        %mul3A_416 = arith.muli %select_n3A_414, %mul3A_415 : i32
        %sub3A_417 = arith.subi %while3A_349, %mul3A_416 : i32
        %mul3A_418 = arith.constant 40 : i32
        %mul3A_419 = arith.muli %sub3A_417, %mul3A_418 : i32
        %dma_start3A_420 = arith.constant 0 : i32
        %dma_start3A_421 = arith.constant 2 : i32
        %dma_start3A_422 = arith.constant 0 : i32
        %dma_start3A_423 = arith.constant 0 : i32
        %dma_start3A_424 = tpu.memref_slice %arg5[%dma_start3A_420, %dma_start3A_422, %dma_start3A_423] : memref<2x40x1024xf32, #tpu.memory_space<vmem>> -> memref<1x40x1024xf32, #tpu.memory_space<vmem>>
        %dma_start3A_425 = tpu.memref_squeeze %dma_start3A_424 : memref<1x40x1024xf32, #tpu.memory_space<vmem>> -> memref<40x1024xf32, #tpu.memory_space<vmem>>
        %dma_start3A_426 = arith.constant 0 : i32
        %dma_start3A_427 = tpu.memref_slice %arg3[%select_n3A_414, %mul3A_419, %dma_start3A_426] : memref<26x1000x1024xf32, #tpu.memory_space<hbm>> -> memref<1x40x1024xf32, #tpu.memory_space<hbm>>
        %dma_start3A_428 = tpu.memref_squeeze %dma_start3A_427 : memref<1x40x1024xf32, #tpu.memory_space<hbm>> -> memref<40x1024xf32, #tpu.memory_space<hbm>>
        %dma_start3A_429 = tpu.memref_slice %arg6[%dma_start3A_421] : memref<4x!tpu.dma_semaphore, #tpu.memory_space<semaphore_mem>> -> memref<1x!tpu.dma_semaphore, #tpu.memory_space<semaphore_mem>>
        %dma_start3A_430 = tpu.memref_squeeze %dma_start3A_429 : memref<1x!tpu.dma_semaphore, #tpu.memory_space<semaphore_mem>> -> memref<!tpu.dma_semaphore, #tpu.memory_space<semaphore_mem>>
        %dma_start3A_431 = arith.constant 0 : i32
        %dma_start3A_432 = tpu.memref_slice %arg3[%select_n3A_414, %mul3A_419, %dma_start3A_431] : memref<26x1000x1024xf32, #tpu.memory_space<hbm>> -> memref<1x40x1024xf32, #tpu.memory_space<hbm>>
        %dma_start3A_433 = tpu.memref_squeeze %dma_start3A_432 : memref<1x40x1024xf32, #tpu.memory_space<hbm>> -> memref<40x1024xf32, #tpu.memory_space<hbm>>
        %dma_start3A_434 = arith.constant 0 : i32
        %dma_start3A_435 = arith.constant 0 : i32
        %dma_start3A_436 = tpu.memref_slice %arg5[%dma_start3A_420, %dma_start3A_434, %dma_start3A_435] : memref<2x40x1024xf32, #tpu.memory_space<vmem>> -> memref<1x40x1024xf32, #tpu.memory_space<vmem>>
        %dma_start3A_437 = tpu.memref_squeeze %dma_start3A_436 : memref<1x40x1024xf32, #tpu.memory_space<vmem>> -> memref<40x1024xf32, #tpu.memory_space<vmem>>
        tpu.enqueue_dma source(%dma_start3A_437 : memref<40x1024xf32, #tpu.memory_space<vmem>>) target(%dma_start3A_433 : memref<40x1024xf32, #tpu.memory_space<hbm>>) target_semaphore(%dma_start3A_430 : memref<!tpu.dma_semaphore, #tpu.memory_space<semaphore_mem>>)
      } else {
      }
      %eq3A_365 = arith.constant 3 : i32
      %eq3A_366 = arith.cmpi eq, %and3A_352, %eq3A_365 : i32
      %convert_element_type3A_367 = arith.extui %eq3A_366 : i1 to i32
      %cond3A_368 = arith.constant 0 : i32
      %cond3A_369 = arith.cmpi ne, %convert_element_type3A_367, %cond3A_368 : i32
      scf.if %cond3A_369 {
        %dma_wait3A_370 = arith.constant 1 : i32
        %dma_wait3A_371 = arith.constant 0 : i32
        %dma_wait3A_372 = arith.constant 3 : i32
        %dma_wait3A_373 = arith.constant 0 : i32
        %dma_wait3A_374 = arith.constant 0 : i32
        %dma_wait3A_375 = tpu.memref_slice %arg5[%dma_wait3A_370, %dma_wait3A_373, %dma_wait3A_374] : memref<2x40x1024xf32, #tpu.memory_space<vmem>> -> memref<1x40x1024xf32, #tpu.memory_space<vmem>>
        %dma_wait3A_376 = tpu.memref_squeeze %dma_wait3A_375 : memref<1x40x1024xf32, #tpu.memory_space<vmem>> -> memref<40x1024xf32, #tpu.memory_space<vmem>>
        %dma_wait3A_377 = arith.constant 0 : i32
        %dma_wait3A_378 = arith.constant 0 : i32
        %dma_wait3A_379 = tpu.memref_slice %arg3[%dma_wait3A_371, %dma_wait3A_377, %dma_wait3A_378] : memref<26x1000x1024xf32, #tpu.memory_space<hbm>> -> memref<1x40x1024xf32, #tpu.memory_space<hbm>>
        %dma_wait3A_380 = tpu.memref_squeeze %dma_wait3A_379 : memref<1x40x1024xf32, #tpu.memory_space<hbm>> -> memref<40x1024xf32, #tpu.memory_space<hbm>>
        %dma_wait3A_381 = tpu.memref_slice %arg6[%dma_wait3A_372] : memref<4x!tpu.dma_semaphore, #tpu.memory_space<semaphore_mem>> -> memref<1x!tpu.dma_semaphore, #tpu.memory_space<semaphore_mem>>
        %dma_wait3A_382 = tpu.memref_squeeze %dma_wait3A_381 : memref<1x!tpu.dma_semaphore, #tpu.memory_space<semaphore_mem>> -> memref<!tpu.dma_semaphore, #tpu.memory_space<semaphore_mem>>
        %dma_wait3A_383 = arith.constant 0 : i32
        %dma_wait3A_384 = arith.constant 0 : i32
        %dma_wait3A_385 = tpu.memref_slice %arg3[%dma_wait3A_371, %dma_wait3A_383, %dma_wait3A_384] : memref<26x1000x1024xf32, #tpu.memory_space<hbm>> -> memref<1x40x1024xf32, #tpu.memory_space<hbm>>
        %dma_wait3A_386 = tpu.memref_squeeze %dma_wait3A_385 : memref<1x40x1024xf32, #tpu.memory_space<hbm>> -> memref<40x1024xf32, #tpu.memory_space<hbm>>
        %dma_wait3A_387 = arith.constant 0 : i32
        %dma_wait3A_388 = arith.constant 0 : i32
        %dma_wait3A_389 = tpu.memref_slice %arg5[%dma_wait3A_370, %dma_wait3A_387, %dma_wait3A_388] : memref<2x40x1024xf32, #tpu.memory_space<vmem>> -> memref<1x40x1024xf32, #tpu.memory_space<vmem>>
        %dma_wait3A_390 = tpu.memref_squeeze %dma_wait3A_389 : memref<1x40x1024xf32, #tpu.memory_space<vmem>> -> memref<40x1024xf32, #tpu.memory_space<vmem>>
        tpu.wait_dma2 semaphore(%dma_wait3A_382 : memref<!tpu.dma_semaphore, #tpu.memory_space<semaphore_mem>>) src(%dma_wait3A_390 : memref<40x1024xf32, #tpu.memory_space<vmem>>) dst(%dma_wait3A_386 : memref<40x1024xf32, #tpu.memory_space<hbm>>)
        %jit3A_391 = arith.constant 25 : i32
        %div3A_392 = arith.divsi %while3A_349, %jit3A_391 : i32
        %sign3A_393 = arith.constant 0 : i32
        %sign3A_394 = arith.cmpi sgt, %while3A_349, %sign3A_393 : i32
        %sign3A_395 = arith.extui %sign3A_394 : i1 to i32
        %sign3A_396 = arith.constant 0 : i32
        %sign3A_397 = arith.cmpi slt, %while3A_349, %sign3A_396 : i32
        %sign3A_398 = arith.extui %sign3A_397 : i1 to i32
        %sign3A_399 = arith.subi %sign3A_395, %sign3A_398 : i32
        %sign3A_400 = arith.constant 0 : i32
        %sign3A_401 = arith.cmpi sgt, %jit3A_391, %sign3A_400 : i32
        %sign3A_402 = arith.extui %sign3A_401 : i1 to i32
        %sign3A_403 = arith.constant 0 : i32
        %sign3A_404 = arith.cmpi slt, %jit3A_391, %sign3A_403 : i32
        %sign3A_405 = arith.extui %sign3A_404 : i1 to i32
        %sign3A_406 = arith.subi %sign3A_402, %sign3A_405 : i32
        %ne3A_407 = arith.cmpi ne, %sign3A_399, %sign3A_406 : i32
        %rem3A_408 = arith.remsi %while3A_349, %jit3A_391 : i32
        %ne3A_409 = arith.constant 0 : i32
        %ne3A_410 = arith.cmpi ne, %rem3A_408, %ne3A_409 : i32
        %and3A_411 = arith.andi %ne3A_407, %ne3A_410 : i1
        %sub3A_412 = arith.constant 1 : i32
        %sub3A_413 = arith.subi %div3A_392, %sub3A_412 : i32
        %select_n3A_414 = arith.select %and3A_411, %sub3A_413, %div3A_392 : i32
        %mul3A_415 = arith.constant 25 : i32
        %mul3A_416 = arith.muli %select_n3A_414, %mul3A_415 : i32
        %sub3A_417 = arith.subi %while3A_349, %mul3A_416 : i32
        %mul3A_418 = arith.constant 40 : i32
        %mul3A_419 = arith.muli %sub3A_417, %mul3A_418 : i32
        %dma_start3A_420 = arith.constant 1 : i32
        %dma_start3A_421 = arith.constant 3 : i32
        %dma_start3A_422 = arith.constant 0 : i32
        %dma_start3A_423 = arith.constant 0 : i32
        %dma_start3A_424 = tpu.memref_slice %arg5[%dma_start3A_420, %dma_start3A_422, %dma_start3A_423] : memref<2x40x1024xf32, #tpu.memory_space<vmem>> -> memref<1x40x1024xf32, #tpu.memory_space<vmem>>
        %dma_start3A_425 = tpu.memref_squeeze %dma_start3A_424 : memref<1x40x1024xf32, #tpu.memory_space<vmem>> -> memref<40x1024xf32, #tpu.memory_space<vmem>>
        %dma_start3A_426 = arith.constant 0 : i32
        %dma_start3A_427 = tpu.memref_slice %arg3[%select_n3A_414, %mul3A_419, %dma_start3A_426] : memref<26x1000x1024xf32, #tpu.memory_space<hbm>> -> memref<1x40x1024xf32, #tpu.memory_space<hbm>>
        %dma_start3A_428 = tpu.memref_squeeze %dma_start3A_427 : memref<1x40x1024xf32, #tpu.memory_space<hbm>> -> memref<40x1024xf32, #tpu.memory_space<hbm>>
        %dma_start3A_429 = tpu.memref_slice %arg6[%dma_start3A_421] : memref<4x!tpu.dma_semaphore, #tpu.memory_space<semaphore_mem>> -> memref<1x!tpu.dma_semaphore, #tpu.memory_space<semaphore_mem>>
        %dma_start3A_430 = tpu.memref_squeeze %dma_start3A_429 : memref<1x!tpu.dma_semaphore, #tpu.memory_space<semaphore_mem>> -> memref<!tpu.dma_semaphore, #tpu.memory_space<semaphore_mem>>
        %dma_start3A_431 = arith.constant 0 : i32
        %dma_start3A_432 = tpu.memref_slice %arg3[%select_n3A_414, %mul3A_419, %dma_start3A_431] : memref<26x1000x1024xf32, #tpu.memory_space<hbm>> -> memref<1x40x1024xf32, #tpu.memory_space<hbm>>
        %dma_start3A_433 = tpu.memref_squeeze %dma_start3A_432 : memref<1x40x1024xf32, #tpu.memory_space<hbm>> -> memref<40x1024xf32, #tpu.memory_space<hbm>>
        %dma_start3A_434 = arith.constant 0 : i32
        %dma_start3A_435 = arith.constant 0 : i32
        %dma_start3A_436 = tpu.memref_slice %arg5[%dma_start3A_420, %dma_start3A_434, %dma_start3A_435] : memref<2x40x1024xf32, #tpu.memory_space<vmem>> -> memref<1x40x1024xf32, #tpu.memory_space<vmem>>
        %dma_start3A_437 = tpu.memref_squeeze %dma_start3A_436 : memref<1x40x1024xf32, #tpu.memory_space<vmem>> -> memref<40x1024xf32, #tpu.memory_space<vmem>>
        tpu.enqueue_dma source(%dma_start3A_437 : memref<40x1024xf32, #tpu.memory_space<vmem>>) target(%dma_start3A_433 : memref<40x1024xf32, #tpu.memory_space<hbm>>) target_semaphore(%dma_start3A_430 : memref<!tpu.dma_semaphore, #tpu.memory_space<semaphore_mem>>)
      } else {
      }
    }
    %dma_wait3A = arith.constant 0 : i32
    %dma_wait3A_266 = arith.constant 0 : i32
    %dma_wait3A_267 = arith.constant 0 : i32
    %dma_wait3A_268 = arith.constant 0 : i32
    %dma_wait3A_269 = arith.constant 0 : i32
    %dma_wait3A_270 = tpu.memref_slice %arg5[%dma_wait3A, %dma_wait3A_268, %dma_wait3A_269] : memref<2x40x1024xf32, #tpu.memory_space<vmem>> -> memref<1x40x1024xf32, #tpu.memory_space<vmem>>
    %dma_wait3A_271 = tpu.memref_squeeze %dma_wait3A_270 : memref<1x40x1024xf32, #tpu.memory_space<vmem>> -> memref<40x1024xf32, #tpu.memory_space<vmem>>
    %dma_wait3A_272 = arith.constant 0 : i32
    %dma_wait3A_273 = arith.constant 0 : i32
    %dma_wait3A_274 = tpu.memref_slice %arg3[%dma_wait3A_266, %dma_wait3A_272, %dma_wait3A_273] : memref<26x1000x1024xf32, #tpu.memory_space<hbm>> -> memref<1x40x1024xf32, #tpu.memory_space<hbm>>
    %dma_wait3A_275 = tpu.memref_squeeze %dma_wait3A_274 : memref<1x40x1024xf32, #tpu.memory_space<hbm>> -> memref<40x1024xf32, #tpu.memory_space<hbm>>
    %dma_wait3A_276 = tpu.memref_slice %arg6[%dma_wait3A_267] : memref<4x!tpu.dma_semaphore, #tpu.memory_space<semaphore_mem>> -> memref<1x!tpu.dma_semaphore, #tpu.memory_space<semaphore_mem>>
    %dma_wait3A_277 = tpu.memref_squeeze %dma_wait3A_276 : memref<1x!tpu.dma_semaphore, #tpu.memory_space<semaphore_mem>> -> memref<!tpu.dma_semaphore, #tpu.memory_space<semaphore_mem>>
    %dma_wait3A_278 = arith.constant 0 : i32
    %dma_wait3A_279 = arith.constant 0 : i32
    %dma_wait3A_280 = tpu.memref_slice %arg3[%dma_wait3A_266, %dma_wait3A_278, %dma_wait3A_279] : memref<26x1000x1024xf32, #tpu.memory_space<hbm>> -> memref<1x40x1024xf32, #tpu.memory_space<hbm>>
    %dma_wait3A_281 = tpu.memref_squeeze %dma_wait3A_280 : memref<1x40x1024xf32, #tpu.memory_space<hbm>> -> memref<40x1024xf32, #tpu.memory_space<hbm>>
    %dma_wait3A_282 = arith.constant 0 : i32
    %dma_wait3A_283 = arith.constant 0 : i32
    %dma_wait3A_284 = tpu.memref_slice %arg5[%dma_wait3A, %dma_wait3A_282, %dma_wait3A_283] : memref<2x40x1024xf32, #tpu.memory_space<vmem>> -> memref<1x40x1024xf32, #tpu.memory_space<vmem>>
    %dma_wait3A_285 = tpu.memref_squeeze %dma_wait3A_284 : memref<1x40x1024xf32, #tpu.memory_space<vmem>> -> memref<40x1024xf32, #tpu.memory_space<vmem>>
    tpu.wait_dma2 semaphore(%dma_wait3A_277 : memref<!tpu.dma_semaphore, #tpu.memory_space<semaphore_mem>>) src(%dma_wait3A_285 : memref<40x1024xf32, #tpu.memory_space<vmem>>) dst(%dma_wait3A_281 : memref<40x1024xf32, #tpu.memory_space<hbm>>)
    %dma_wait3A_286 = arith.constant 1 : i32
    %dma_wait3A_287 = arith.constant 0 : i32
    %dma_wait3A_288 = arith.constant 1 : i32
    %dma_wait3A_289 = arith.constant 0 : i32
    %dma_wait3A_290 = arith.constant 0 : i32
    %dma_wait3A_291 = tpu.memref_slice %arg5[%dma_wait3A_286, %dma_wait3A_289, %dma_wait3A_290] : memref<2x40x1024xf32, #tpu.memory_space<vmem>> -> memref<1x40x1024xf32, #tpu.memory_space<vmem>>
    %dma_wait3A_292 = tpu.memref_squeeze %dma_wait3A_291 : memref<1x40x1024xf32, #tpu.memory_space<vmem>> -> memref<40x1024xf32, #tpu.memory_space<vmem>>
    %dma_wait3A_293 = arith.constant 0 : i32
    %dma_wait3A_294 = arith.constant 0 : i32
    %dma_wait3A_295 = tpu.memref_slice %arg3[%dma_wait3A_287, %dma_wait3A_293, %dma_wait3A_294] : memref<26x1000x1024xf32, #tpu.memory_space<hbm>> -> memref<1x40x1024xf32, #tpu.memory_space<hbm>>
    %dma_wait3A_296 = tpu.memref_squeeze %dma_wait3A_295 : memref<1x40x1024xf32, #tpu.memory_space<hbm>> -> memref<40x1024xf32, #tpu.memory_space<hbm>>
    %dma_wait3A_297 = tpu.memref_slice %arg6[%dma_wait3A_288] : memref<4x!tpu.dma_semaphore, #tpu.memory_space<semaphore_mem>> -> memref<1x!tpu.dma_semaphore, #tpu.memory_space<semaphore_mem>>
    %dma_wait3A_298 = tpu.memref_squeeze %dma_wait3A_297 : memref<1x!tpu.dma_semaphore, #tpu.memory_space<semaphore_mem>> -> memref<!tpu.dma_semaphore, #tpu.memory_space<semaphore_mem>>
    %dma_wait3A_299 = arith.constant 0 : i32
    %dma_wait3A_300 = arith.constant 0 : i32
    %dma_wait3A_301 = tpu.memref_slice %arg3[%dma_wait3A_287, %dma_wait3A_299, %dma_wait3A_300] : memref<26x1000x1024xf32, #tpu.memory_space<hbm>> -> memref<1x40x1024xf32, #tpu.memory_space<hbm>>
    %dma_wait3A_302 = tpu.memref_squeeze %dma_wait3A_301 : memref<1x40x1024xf32, #tpu.memory_space<hbm>> -> memref<40x1024xf32, #tpu.memory_space<hbm>>
    %dma_wait3A_303 = arith.constant 0 : i32
    %dma_wait3A_304 = arith.constant 0 : i32
    %dma_wait3A_305 = tpu.memref_slice %arg5[%dma_wait3A_286, %dma_wait3A_303, %dma_wait3A_304] : memref<2x40x1024xf32, #tpu.memory_space<vmem>> -> memref<1x40x1024xf32, #tpu.memory_space<vmem>>
    %dma_wait3A_306 = tpu.memref_squeeze %dma_wait3A_305 : memref<1x40x1024xf32, #tpu.memory_space<vmem>> -> memref<40x1024xf32, #tpu.memory_space<vmem>>
    tpu.wait_dma2 semaphore(%dma_wait3A_298 : memref<!tpu.dma_semaphore, #tpu.memory_space<semaphore_mem>>) src(%dma_wait3A_306 : memref<40x1024xf32, #tpu.memory_space<vmem>>) dst(%dma_wait3A_302 : memref<40x1024xf32, #tpu.memory_space<hbm>>)
    %dma_wait3A_307 = arith.constant 0 : i32
    %dma_wait3A_308 = arith.constant 0 : i32
    %dma_wait3A_309 = arith.constant 2 : i32
    %dma_wait3A_310 = arith.constant 0 : i32
    %dma_wait3A_311 = arith.constant 0 : i32
    %dma_wait3A_312 = tpu.memref_slice %arg5[%dma_wait3A_307, %dma_wait3A_310, %dma_wait3A_311] : memref<2x40x1024xf32, #tpu.memory_space<vmem>> -> memref<1x40x1024xf32, #tpu.memory_space<vmem>>
    %dma_wait3A_313 = tpu.memref_squeeze %dma_wait3A_312 : memref<1x40x1024xf32, #tpu.memory_space<vmem>> -> memref<40x1024xf32, #tpu.memory_space<vmem>>
    %dma_wait3A_314 = arith.constant 0 : i32
    %dma_wait3A_315 = arith.constant 0 : i32
    %dma_wait3A_316 = tpu.memref_slice %arg3[%dma_wait3A_308, %dma_wait3A_314, %dma_wait3A_315] : memref<26x1000x1024xf32, #tpu.memory_space<hbm>> -> memref<1x40x1024xf32, #tpu.memory_space<hbm>>
    %dma_wait3A_317 = tpu.memref_squeeze %dma_wait3A_316 : memref<1x40x1024xf32, #tpu.memory_space<hbm>> -> memref<40x1024xf32, #tpu.memory_space<hbm>>
    %dma_wait3A_318 = tpu.memref_slice %arg6[%dma_wait3A_309] : memref<4x!tpu.dma_semaphore, #tpu.memory_space<semaphore_mem>> -> memref<1x!tpu.dma_semaphore, #tpu.memory_space<semaphore_mem>>
    %dma_wait3A_319 = tpu.memref_squeeze %dma_wait3A_318 : memref<1x!tpu.dma_semaphore, #tpu.memory_space<semaphore_mem>> -> memref<!tpu.dma_semaphore, #tpu.memory_space<semaphore_mem>>
    %dma_wait3A_320 = arith.constant 0 : i32
    %dma_wait3A_321 = arith.constant 0 : i32
    %dma_wait3A_322 = tpu.memref_slice %arg3[%dma_wait3A_308, %dma_wait3A_320, %dma_wait3A_321] : memref<26x1000x1024xf32, #tpu.memory_space<hbm>> -> memref<1x40x1024xf32, #tpu.memory_space<hbm>>
    %dma_wait3A_323 = tpu.memref_squeeze %dma_wait3A_322 : memref<1x40x1024xf32, #tpu.memory_space<hbm>> -> memref<40x1024xf32, #tpu.memory_space<hbm>>
    %dma_wait3A_324 = arith.constant 0 : i32
    %dma_wait3A_325 = arith.constant 0 : i32
    %dma_wait3A_326 = tpu.memref_slice %arg5[%dma_wait3A_307, %dma_wait3A_324, %dma_wait3A_325] : memref<2x40x1024xf32, #tpu.memory_space<vmem>> -> memref<1x40x1024xf32, #tpu.memory_space<vmem>>
    %dma_wait3A_327 = tpu.memref_squeeze %dma_wait3A_326 : memref<1x40x1024xf32, #tpu.memory_space<vmem>> -> memref<40x1024xf32, #tpu.memory_space<vmem>>
    tpu.wait_dma2 semaphore(%dma_wait3A_319 : memref<!tpu.dma_semaphore, #tpu.memory_space<semaphore_mem>>) src(%dma_wait3A_327 : memref<40x1024xf32, #tpu.memory_space<vmem>>) dst(%dma_wait3A_323 : memref<40x1024xf32, #tpu.memory_space<hbm>>)
    %dma_wait3A_328 = arith.constant 1 : i32
    %dma_wait3A_329 = arith.constant 0 : i32
    %dma_wait3A_330 = arith.constant 3 : i32
    %dma_wait3A_331 = arith.constant 0 : i32
    %dma_wait3A_332 = arith.constant 0 : i32
    %dma_wait3A_333 = tpu.memref_slice %arg5[%dma_wait3A_328, %dma_wait3A_331, %dma_wait3A_332] : memref<2x40x1024xf32, #tpu.memory_space<vmem>> -> memref<1x40x1024xf32, #tpu.memory_space<vmem>>
    %dma_wait3A_334 = tpu.memref_squeeze %dma_wait3A_333 : memref<1x40x1024xf32, #tpu.memory_space<vmem>> -> memref<40x1024xf32, #tpu.memory_space<vmem>>
    %dma_wait3A_335 = arith.constant 0 : i32
    %dma_wait3A_336 = arith.constant 0 : i32
    %dma_wait3A_337 = tpu.memref_slice %arg3[%dma_wait3A_329, %dma_wait3A_335, %dma_wait3A_336] : memref<26x1000x1024xf32, #tpu.memory_space<hbm>> -> memref<1x40x1024xf32, #tpu.memory_space<hbm>>
    %dma_wait3A_338 = tpu.memref_squeeze %dma_wait3A_337 : memref<1x40x1024xf32, #tpu.memory_space<hbm>> -> memref<40x1024xf32, #tpu.memory_space<hbm>>
    %dma_wait3A_339 = tpu.memref_slice %arg6[%dma_wait3A_330] : memref<4x!tpu.dma_semaphore, #tpu.memory_space<semaphore_mem>> -> memref<1x!tpu.dma_semaphore, #tpu.memory_space<semaphore_mem>>
    %dma_wait3A_340 = tpu.memref_squeeze %dma_wait3A_339 : memref<1x!tpu.dma_semaphore, #tpu.memory_space<semaphore_mem>> -> memref<!tpu.dma_semaphore, #tpu.memory_space<semaphore_mem>>
    %dma_wait3A_341 = arith.constant 0 : i32
    %dma_wait3A_342 = arith.constant 0 : i32
    %dma_wait3A_343 = tpu.memref_slice %arg3[%dma_wait3A_329, %dma_wait3A_341, %dma_wait3A_342] : memref<26x1000x1024xf32, #tpu.memory_space<hbm>> -> memref<1x40x1024xf32, #tpu.memory_space<hbm>>
    %dma_wait3A_344 = tpu.memref_squeeze %dma_wait3A_343 : memref<1x40x1024xf32, #tpu.memory_space<hbm>> -> memref<40x1024xf32, #tpu.memory_space<hbm>>
    %dma_wait3A_345 = arith.constant 0 : i32
    %dma_wait3A_346 = arith.constant 0 : i32
    %dma_wait3A_347 = tpu.memref_slice %arg5[%dma_wait3A_328, %dma_wait3A_345, %dma_wait3A_346] : memref<2x40x1024xf32, #tpu.memory_space<vmem>> -> memref<1x40x1024xf32, #tpu.memory_space<vmem>>
    %dma_wait3A_348 = tpu.memref_squeeze %dma_wait3A_347 : memref<1x40x1024xf32, #tpu.memory_space<vmem>> -> memref<40x1024xf32, #tpu.memory_space<vmem>>
    tpu.wait_dma2 semaphore(%dma_wait3A_340 : memref<!tpu.dma_semaphore, #tpu.memory_space<semaphore_mem>>) src(%dma_wait3A_348 : memref<40x1024xf32, #tpu.memory_space<vmem>>) dst(%dma_wait3A_344 : memref<40x1024xf32, #tpu.memory_space<hbm>>)
    return
  }
}

</mosaic_0001>

<sc_bundles>
// kernel: kernel.3.cloned.1.call-start
scs
__scs_entry_jumppad:
0x0: {  	(pc) =	sbr.rel $0x88, $3  }
0x1: {  	(tag) =	ssettag $0x0;
	lr =	simm.s32 $0x1  }
0x2: {  	[smem:$0x3FA0] =	sst lr;
	_ =	strace $0xD0000000  }
0x3: {  	_ = 	snop  }
0x4: {  	_ = 	snop  }
0x5: {  	_ = 	snop  }
0x6: {  	_ = 	snop  }
0x7: {  	_ = 	snop  }
__scs_overlays_trampoline_lowered:
0x8: {  	[smem:$0x3FAF] =	sst s0  }
0x9: {  	[smem:$0x3FB0] =	sst s1  }
0xa: {  	[smem:$0x3FB1] =	sst s2  }
0xb: {  	[smem:$0x3FB2] =	sst s3  }
0xc: {  	[smem:$0x3FB3] =	sst s4  }
0xd: {  	[smem:$0x3FB4] =	sst s5  }
0xe: {  	[smem:$0x3FB5] =	sst s6  }
0xf: {  	[smem:$0x3FB6] =	sst s7  }
0x10: {  	[smem:$0x3FB7] =	sst s8  }
0x11: {  	[smem:$0x3FB8] =	sst s9;
	s0 =	simm.s32 @!p0 $0x0  }
0x12: {  	s1 =	sld [smem:$0x3F9E];
	s0 =	simm.s32 @p0 $0x1  }
0x13: {  	[smem:$0x3FB9] =	sst s0;
	s0 =	simm.s32 @!p1 $0x0  }
0x14: {  	s2 =	sld [smem:$0x3F9D];
	s0 =	simm.s32 @p1 $0x1  }
0x15: {  	[smem:$0x3FBA] =	sst s0;
	s0 =	simm.s32 @!p2 $0x0  }
0x16: {  	s3 =	sld [smem:$0x3FDB];
	s0 =	simm.s32 @p2 $0x1  }
0x17: {  	s4 =	simm.s32 $0x1BF5;
	[smem:$0x3FBC] =	sst s0  }
0x18: {  	s0 =	sld [smem:$0x3F9F];
	_ =	swait.ge [sflag:s4], $0x0  }
0x19: {  	s7 =	sld [smem:$0x3FA0]  }
0x1a: {  	s8 =	sadd.s32 $0xFFFFE003, lr  }
0x1b: {  	s9 =	sadd.s32 $0xFFFFFEF7, lr;
	s5 =	simm.s32 $0xFFFFFFFF;
	p2 =	slt.u32 s8, $0xFFFFF086  }
0x1c: {  	p1 =	slt.u32 s9, $0xF7A;
	s5 =	simm.s32 @!p2 $0x0  }
0x1d: {  	s5 =	simm.s32 @p1 $0x1;
	p0 =	seq.s32 s7, s2  }
0x1e: {  	s7 =	smul.u32 @!p0 $0xF7A, s2;
	p2 =	seq.s32 @!p0 s5, $0x0  }
0x1f: {  	s9 =	smul.u32 $0xF7A, s1;
	s8 =	simm.s32 @!p0 $0x1BF5;
	p2 =	por !p2, p0  }
0x20: {  	[sflag:s8] =	ssyncset.s32 @!p0 $0xFFFFF086;
	s6 =	sadd.s32 @!p0 s3, s7;
	s7 =	simm.s32 @!p0 $0x108  }
0x21: {  	s3 =	sadd.s32 s3, s9;
	s6 =	sadd.s32 @!p0 $0x88, s6;
	s7 =	simm.s32 @p2 $0x1082  }
0x22: {  	[simem:s7], [sflag:s8] =	dma.local @!p0 [hbm:s6], $0xF7A  }
0x23: {  	s9 =	sor.u32 $0xD0000000, s2;
	s6 =	simm.s32 $0x108;
	_ =	swait.ge @!p0 [sflag:s8], $0x0  }
0x24: {  	s3 =	sadd.s32 $0x88, s3;
	s6 =	simm.s32 @!p1 $0x1082;
	[sflag:s4] =	ssyncset.s32 $0xFFFFF086  }
0x25: {  	[simem:s6], [sflag:s4] =	dma.local [hbm:s3], $0xF7A  }
0x26: {  	[smem:$0x3FA0] =	sst s1;
	(tag) =	ssettag s2;
	_ =	strace s9  }
0x27: {  	s1 =	sld [smem:$0x3FB0]  }
0x28: {  	s2 =	sld [smem:$0x3FB1]  }
0x29: {  	s4 =	sld [smem:$0x3FB3]  }
0x2a: {  	p0 =	seq.s32 s5, $0x0;
	s5 =	sld [smem:$0x3FB4]  }
0x2b: {  	s6 =	sld [smem:$0x3FB5]  }
0x2c: {  	s7 =	sld [smem:$0x3FB6]  }
0x2d: {  	s3 =	simm.s32 $0x108;
	s8 =	sld [smem:$0x3FB7]  }
0x2e: {  	s3 =	simm.s32 @!p0 $0x1082;
	s9 =	sld [smem:$0x3FB8]  }
0x2f: {  	lr =	sadd.s32 s0, s3;
	s0 =	sld [smem:$0x3FAF]  }
0x30: {  	s3 =	sld [smem:$0x3FB2]  }
0x31: {  	[smem:$0x3FBB] =	sst s10  }
0x32: {  	s10 =	sld [smem:$0x3FB9];
	_ =	sdelay $0x3  }
0x33: {  	p0 =	seq.s32 s10, $0x1;
	s10 =	sld [smem:$0x3FBB];
	_ =	sdelay $0x3  }
0x34: {  	[smem:$0x3FBB] =	sst s10  }
0x35: {  	s10 =	sld [smem:$0x3FBA];
	_ =	sdelay $0x3  }
0x36: {  	p1 =	seq.s32 s10, $0x1;
	s10 =	sld [smem:$0x3FBB];
	_ =	sdelay $0x3  }
0x37: {  	[smem:$0x3FBB] =	sst s10  }
0x38: {  	s10 =	sld [smem:$0x3FBC]  }
0x39: {  	_ = 	snop;
	(pc) =	sbr.ind lr, $3  }
0x3a: {  	_ = 	snop  }
0x3b: {  	_ = 	snop  }
0x3c: {  	p2 =	seq.s32 s10, $0x1;
	s10 =	sld [smem:$0x3FBB]  }
0x3d: {  	_ =	shalt  }
0x3e: {  	_ =	shalt  }
0x3f: {  	_ =	shalt  }
0x40: {  	_ =	shalt  }
0x41: {  	_ =	shalt  }
0x42: {  	_ =	shalt  }
0x43: {  	_ =	shalt  }
0x44: {  	_ =	shalt  }
0x45: {  	_ =	shalt  }
0x46: {  	_ =	shalt  }
0x47: {  	_ =	shalt  }
0x48: {  	_ =	shalt  }
0x49: {  	_ =	shalt  }
0x4a: {  	_ =	shalt  }
0x4b: {  	_ =	shalt  }
0x4c: {  	_ =	shalt  }
0x4d: {  	_ =	shalt  }
0x4e: {  	_ =	shalt  }
0x4f: {  	_ =	shalt  }
0x50: {  	_ =	shalt  }
0x51: {  	_ =	shalt  }
0x52: {  	_ =	shalt  }
0x53: {  	_ =	shalt  }
0x54: {  	_ =	shalt  }
0x55: {  	_ =	shalt  }
0x56: {  	_ =	shalt  }
0x57: {  	_ =	shalt  }
0x58: {  	_ =	shalt  }
0x59: {  	_ =	shalt  }
0x5a: {  	_ =	shalt  }
0x5b: {  	_ =	shalt  }
0x5c: {  	_ =	shalt  }
0x5d: {  	_ =	shalt  }
0x5e: {  	_ =	shalt  }
0x5f: {  	_ =	shalt  }
0x60: {  	_ =	shalt  }
0x61: {  	_ =	shalt  }
0x62: {  	_ =	shalt  }
0x63: {  	_ =	shalt  }
0x64: {  	_ =	shalt  }
0x65: {  	_ =	shalt  }
0x66: {  	_ =	shalt  }
0x67: {  	_ =	shalt  }
0x68: {  	_ =	shalt  }
0x69: {  	_ =	shalt  }
0x6a: {  	_ =	shalt  }
0x6b: {  	_ =	shalt  }
0x6c: {  	_ =	shalt  }
0x6d: {  	_ =	shalt  }
0x6e: {  	_ =	shalt  }
0x6f: {  	_ =	shalt  }
0x70: {  	_ =	shalt  }
0x71: {  	_ =	shalt  }
0x72: {  	_ =	shalt  }
0x73: {  	_ =	shalt  }
0x74: {  	_ =	shalt  }
0x75: {  	_ =	shalt  }
0x76: {  	_ =	shalt  }
0x77: {  	_ =	shalt  }
0x78: {  	_ =	shalt  }
0x79: {  	_ =	shalt  }
0x7a: {  	_ =	shalt  }
0x7b: {  	_ =	shalt  }
0x7c: {  	_ =	shalt  }
0x7d: {  	_ =	shalt  }
0x7e: {  	_ =	shalt  }
0x7f: {  	_ =	shalt  }
0x80: {  	_ =	shalt  }
0x81: {  	_ =	shalt  }
0x82: {  	_ =	shalt  }
0x83: {  	_ =	shalt  }
0x84: {  	_ =	shalt  }
0x85: {  	_ =	shalt  }
0x86: {  	_ =	shalt  }
0x87: {  	_ =	shalt  }
.Lfunc_end0:
.L_simem_size_0:
called_computation_lowered:
.L_overlay_start_0:
0x88: {  	s2 =	sld [smem:$0x3FD9]  }
0x89: {  	s3 =	sld [smem:$0x3FFE];
	_ =	sdelay $0x1  }
0x8a: {  	s1 =	srdreg.scid  }
0x8b: {  	s0 =	sand.u32 $0x1, s1  }
0x8c: {  	s18 =	sshll.u32 s0, $0xA;
	s2 =	sadd.s32 s3, s2  }
0x8d: {  	s2 =	sadd.s32 s2, s18  }
0x8e: {  	[smem:$0x3FC7] =	sst s2  }
0x8f: {  	_ = 	snop  }
0x90: {  	s2 =	sld [smem:$0x3FC9]  }
0x91: {  	s19 =	sld [smem:$0x3FD0];
	(tm) =	ssettm $0x1  }
0x92: {  	s4 =	sld [smem:$0x3FFB];
	_ =	sdelay $0x3  }
0x93: {  	_ =	strace s4  }
0x94: {  	s4 =	sld [smem:$0x3FFC];
	_ =	sdelay $0x3  }
0x95: {  	_ =	strace s4  }
0x96: {  	s4 =	sld [smem:$0x3FFD];
	_ =	sdelay $0x3  }
0x97: {  	_ =	strace s4  }
0x98: {  	_ =	strace $0x8FFFFFFF  }
0x99: {  	s20 =	sld [smem:$0x3FDB];
	_ =	sdelay $0x1  }
0x9a: {  	s5 =	simm.s32 $_scs_section_size  }
0x9b: {  	s6 =	simm.s32 $_size__tile_overlayer_lowered;
	s7 =	simm.s32 $_tile_overlayer_lowered  }
0x9c: {  	s23 =	simm.s32 $0x1BFF;
	s22 =	sshll.u32 s7, $0x1;
	s4 =	sadd.s32 s5, s20  }
0x9d: {  	s8 =	simm.s32 $0x0;
	s21 =	sshll.u32 s6, $0x1;
	s6 =	sadd.s32 s22, s4  }
0x9e: {  	[timem:s8], [sflag:s23] =	dma.local [hbm:s6], s21  }
0x9f: {  	_ =	swait.ge [sflag:s23], s21  }
0xa0: {  	s5 =	ssub.s32 $0x0, s21;
	[sflag:s23] =	ssyncset.done $0x0  }
0xa1: {  	[sflag:s23] =	ssyncadd.s32 s5;
	_ =	sdelay $0x1  }
0xa2: {  	s24 =	simm.s32 $0x1B8B  }
0xa3: {  	_ =	swait.ge [sflag:s24], $0x1  }
0xa4: {  	[sflag:s24] =	ssyncset.done $0x0  }
0xa5: {  	s25 =	simm.s32 $0x1B8E;
	[sflag:s24] =	ssyncadd.s32 $0xFFFFFFFF  }
0xa6: {  	s26 =	simm.s32 $execute0_lowered;
	[smem:$0x3FD2] =	sst s25  }
0xa7: {  	s5 =	sshll.u32 s26, $0x1;
	_ =	strace $0x80000046;
	[dreg:$0x1] =	wrdreg $0xFFFFFFFF  }
0xa8: {  	s28 =	simm.s32 $_size_execute0_lowered;
	s4 =	sadd.s32 s4, s5;
	[dreg:$0x0] =	wrdreg $0x0  }
0xa9: {  	s5 =	sshll.u32 s28, $0x1;
	[dreg:$0x2] =	wrdreg s4  }
0xaa: {  	[dreg:$0x3] =	wrdreg s5  }
0xab: {  	[dreg:$0x4] =	wrdreg $0xC0  }
0xac: {  	_ =	task [dreg:s8], $0x5FFFF  }
0xad: {  	[dreg:$0x1] =	wrdreg $0xFFFFFFFF  }
0xae: {  	[dreg:$0x0] =	wrdreg $0x60  }
0xaf: {  	[dreg:$0x2] =	wrdreg s2  }
0xb0: {  	[dreg:$0x3] =	wrdreg s19  }
0xb1: {  	[dreg:$0x4] =	wrdreg $0x9  }
0xb2: {  	_ =	task.clear_ibuf [dreg:s8], $0x5FFFF;
	_ =	strace $0x90000046  }
0xb3: {  	s29 =	simm.s32 $0x9;
	_ =	strace $0x80000048  }
0xb4: {  	_ =	swait.ge [sflag:s29], $0x1  }
0xb5: {  	[sflag:s29] =	ssyncadd.s32 $0xFFFFFFFF  }
0xb6: {  	_ =	strace $0x90000048  }
0xb7: {  	_ =	sfence  }
0xb8: {  	s30 =	sld [smem:$0x0];
	_ =	sdelay $0x2  }
0xb9: {  	s31 =	sshll.u32 s1, $0xD;
	s1 =	sshrl.u32 s1, $0x2  }
0xba: {  	s3 =	sand.u32 $0x4000, s31;
	s1 =	sadd.s32 s1, s30  }
0xbb: {  	s0 =	sor.u32 s3, s0;
	s1 =	sshll.u32 s1, $0x11  }
0xbc: {  	s0 =	sor.u32 s1, s0  }
0xbd: {  	s0 =	sadd.s32 $0x8F2B, s0  }
0xbe: {  	[sflag:s0] =	ssyncadd.remote.s32 $0x1  }
0xbf: {  	_ =	sfence.sel $0xFFFF  }
0xc0: {  	[dreg:$0x0] =	wrdreg $0xFFFFFFFF;
	(pc) =	sbr.abs _section_cstart, $3  }
0xc1: {  	[dreg:$0x1] =	wrdreg $0xFFFFFFFF  }
0xc2: {  	_ =	task.clear_ibuf [dreg:s8], $0x2FFFF;
	_ =	strace $0x9FFFFFFF  }
0xc3: {  	(tm) =	ssettm $0x7FFFFFFF  }
tec
execute0_lowered:
.L_overlay_start_1:
0x0: {  	(tag) =	ssettag $0x1  }
0x1: {  	s1 =	srdreg.scid;
	s0 =	stileid.u32  }
0x2: {  	s5 =	sand.u32 $0x1, s1;
	s17 =	sshll.u32 s0, $0x1  }
0x3: {  	s23 =	smul.u32 $0x514, s0;
	s1 =	sor.u32 s5, s17  }
0x4: {  	s2 =	rddreg [dreg:$0x0];
	s4 =	smul.u32 $0x28A, s1  }
0x5: {  	s11 =	rddreg [dreg:$0x1];
	s21 =	ssub.s32 $0x2, s5;
	s3 =	smul.u32 $0x34004E, s1  }
0x6: {  	s5 =	smul.u32 $0x28A, s5;
	s1 =	rddreg [dreg:$0x2];
	s10 =	sshrl.u32 s4, $0x5  }
0x7: {  	s22 =	sshrl.u32 s21, $0x1;
	s8 =	sshrl.u32 s3, $0x16;
	s6 =	smul.u32 $0x47AF, s10  }
0x8: {  	s28 =	sadd.s32 s5, s23;
	s3 =	simm.s32 $0x0;
	s12 =	smul.u32 $0xFA000, s8  }
0x9: {  	s4 =	sadd.s32 $0x28A, s4;
	s9 =	sadd.s32 $0x1, s10;
	s8 =	smul.u32 $0xFFFFFFE7, s8  }
0xa: {  	s15 =	sadd.s32 $0x2, s10;
	s19 =	sadd.s32 $0x3, s10;
	[smem:$0x7FF] =	sst s3  }
0xb: {  	s4 =	sshrl.u32 s4, $0x5;
	s31 =	sadd.s32 $0x4, s10;
	s7 =	sadd.s32 $0x47AF, s6  }
0xc: {  	_ =	strace $0x80000047;
	p0 =	sge.u32 s31, s4;
	s7 =	sshrl.u32 s7, $0x10  }
0xd: {  	s14 =	sadd.s32 $0x8F5E, s6;
	s6 =	sadd.s32 $0xD70D, s6;
	s13 =	ssub.s32 s9, s7  }
0xe: {  	s8 =	sadd.s32 s10, s8;
	s6 =	sshrl.u32 s6, $0x10;
	s13 =	sand.u32 $0xFFFE, s13  }
0xf: {  	s14 =	sshrl.u32 s14, $0x10;
	s17 =	ssub.s32 s19, s6;
	s13 =	sshrl.u32 s13, $0x1  }
0x10: {  	s8 =	smul.u32 $0xA000, s8;
	s17 =	sand.u32 $0xFFFE, s17;
	s7 =	sadd.s32 s7, s13  }
0x11: {  	s18 =	ssub.s32 s15, s14;
	s17 =	sshrl.u32 s17, $0x1;
	s7 =	sand.u32 $0xFFF0, s7  }
0x12: {  	s8 =	sadd.s32 s12, s8;
	s6 =	sadd.s32 s6, s17;
	s7 =	sshrl.u32 s7, $0x4  }
0x13: {  	s13 =	sand.u32 $0xFFFE, s18;
	s6 =	sand.u32 $0xFFF0, s6;
	s16 =	smul.u32 $0xFFFFFFE7, s7  }
0x14: {  	s13 =	sshrl.u32 s13, $0x1;
	s6 =	sshrl.u32 s6, $0x4;
	s7 =	smul.u32 $0xFA000, s7  }
0x15: {  	s12 =	simm.s32 $0x5;
	s13 =	sadd.s32 s14, s13;
	s18 =	smul.u32 $0xFFFFFFE7, s6  }
0x16: {  	s13 =	sand.u32 $0xFFF0, s13;
	s24 =	smul.u32 $0xFA000, s6;
	s6 =	sshrl.u32 s28, $0x5  }
0x17: {  	s8 =	sshrl.u32 s8, $0x3;
	s13 =	sshrl.u32 s13, $0x4;
	s30 =	smul.u32 $0x1400, s6  }
0x18: {  	s5 =	sadd.s32 s11, s8;
	s17 =	simm.s32 $0x3;
	s20 =	smul.u32 $0xFFFFFFE7, s13  }
0x19: {  	s14 =	simm.s32 $0x12000;
	s9 =	sadd.s32 s9, s16;
	s13 =	smul.u32 $0xFA000, s13  }
0x1a: {  	s16 =	ssub.s32 s21, s22;
	s25 =	sadd.s32 s19, s18;
	s9 =	smul.u32 $0xA000, s9  }
0x1b: {  	s18 =	simm.s32 $0x4;
	s26 =	smul.u32 $0xA000, s25;
	s15 =	sadd.s32 s15, s20  }
0x1c: {  	s19 =	simm.s32 $0x0;
	s10 =	smax.u32 s16, $0x1;
	s15 =	smul.u32 $0xA000, s15  }
.Ltmp0:
0x1d: {  	s16 =	simm.s32 $0x2;
	s7 =	sadd.s32 s7, s9;
	(pc) =	sbr.rel .LBB2_1-.Ltmp0, $4  }
0x1e: {  	s9 =	sadd.s32 s24, s26;
	s7 =	sshrl.u32 s7, $0x3;
	s29 =	sadd.s32 s13, s15  }
0x1f: {  	s9 =	sshrl.u32 s9, $0x3;
	s7 =	sadd.s32 s11, s7;
	s8 =	sshrl.u32 s29, $0x3  }
0x20: {  	s9 =	sadd.s32 s11, s9;
	s8 =	sadd.s32 s11, s8;
	s11 =	sadd.s32 s30, s11  }
0x21: {  	v0 =	vimm.f32 $0.0e+00;
	s13 =	simm.s32 $0x8000;
	s15 =	simm.s32 $0x1;
	s11 =	sadd.s32 $0x5000, s11  }
.LBB2_11:
0x22: {  	_ =	swait.ge [sflag:s15], $0xA000  }
0x23: {  	[sflag:s15] =	ssyncset.done $0x0  }
0x24: {  	[sflag:s15] =	ssyncadd.s32 $0xFFFF6000  }
0x25: {  	_ =	swait.ge [sflag:s16], $0xA000  }
0x26: {  	[sflag:s16] =	ssyncset.done $0x0  }
0x27: {  	s19 =	sadd.s32 $0x1, s19;
	[sflag:s16] =	ssyncadd.s32 $0xFFFF6000  }
0x28: {  	p1 =	sne.s32 s19, s10;
	_ =	swait.ge [sflag:s17], $0xA000  }
.Ltmp1:
0x29: {  	[sflag:s17] =	ssyncset.done $0x0;
	(pc) =	sbr.rel @!p1 .LBB2_12-.Ltmp1, $4  }
0x2a: {  	[sflag:s17] =	ssyncadd.s32 $0xFFFF6000  }
0x2b: {  	_ =	swait.ge [sflag:s18], $0xA000  }
0x2c: {  	[sflag:s18] =	ssyncset.done $0x0  }
0x2d: {  	[sflag:s18] =	ssyncadd.s32 $0xFFFF6000  }
.LBB2_1:
0x2e: {  	[tilespmem:s3], [sflag:$0x5] =	stream.linear.gather [hbm4b:s2+s3], $0x8000, $0x38;
	[tilespmem:$0x1C000] =	vst v63  }
0x2f: {  	_ =	swait.ge [sflag:s12], $0x8000  }
0x30: {  	[sflag:s12] =	ssyncset.done $0x0  }
0x31: {  	s21 =	simm.s32 $0x0;
	[sflag:s12] =	ssyncadd.s32 $0xFFFF8000  }
.LBB2_2:
0x32: {  	s20 =	sshll.u32 s21, $0xA;
	s22 =	sshll.u32 s21, $0x7  }
0x33: {  	s20 =	sand.u32 $0xE000, s20;
	s22 =	sand.u32 $0x380, s22  }
0x34: {  	s22 =	sor.u32 s22, s20;
	s20 =	simm.s32 $0x0  }
0x35: {  	s22 =	sadd.s32 $0x8000, s22;
	s23 =	sand.u32 $0x1C00, s20  }
0x36: {  	s24 =	sand.u32 $0x70, s20;
	s25 =	sadd.s32 s23, s22  }
0x37: {  	s23 =	simm.s32 $0x10;
	s24 =	sadd.s32 s24, s25  }
.LBB2_3:
0x38: {  	p1 =	sne.s32 s23, $0x3F0  }
0x39: {  	[tilespmem:s24+$0x0] =	vst v0;
	s20 =	sadd.s32 $0x80, s20;
	s24 =	smov.u32 s23;
	s23 =	sadd.s32 $0x10, s23  }
.Ltmp2:
0x3a: {  	(pc) =	sbr.rel @p1 .LBB2_3-.Ltmp2, $4  }
0x3b: {  	_ = 	snop  }
0x3c: {  	s25 =	sand.u32 $0x1C00, s20  }
0x3d: {  	s24 =	sand.u32 $0x70, s24;
	s25 =	sadd.s32 s25, s22  }
0x3e: {  	s24 =	sadd.s32 s24, s25  }
0x3f: {  	s21 =	sadd.s32 $0x1, s21  }
0x40: {  	p1 =	sne.s32 s21, $0x28  }
.Ltmp3:
0x41: {  	_ = 	snop;
	(pc) =	sbr.rel @p1 .LBB2_2-.Ltmp3, $2  }
0x42: {  	_ =	sdelay $0x2  }
0x43: {  	[tilespmem:s24+$0x0] =	vst v0;
	s20 =	simm.s32 $0x0  }
0x44: {  	s21 =	simm.s32 $0x0  }
.LBB2_6:
0x45: {  	s22 =	sshll.u32 s21, $0xA;
	s23 =	sshll.u32 s21, $0x7  }
0x46: {  	s22 =	sand.u32 $0xE000, s22;
	s23 =	sand.u32 $0x380, s23  }
0x47: {  	s22 =	sor.u32 s23, s22  }
0x48: {  	s31 =	sand.u32 $0x1C00, s20;
	s22 =	sadd.s32 $0x12000, s22  }
0x49: {  	s24 =	sand.u32 $0x70, s20;
	s25 =	sadd.s32 s31, s22  }
0x4a: {  	s23 =	simm.s32 $0x10;
	s25 =	sadd.s32 s24, s25;
	s24 =	simm.s32 $0x0  }
.LBB2_7:
0x4b: {  	p1 =	sne.s32 s23, $0x3F0  }
0x4c: {  	[tilespmem:s25+$0x0] =	vst v0;
	s24 =	sadd.s32 $0x80, s24;
	s25 =	smov.u32 s23;
	s23 =	sadd.s32 $0x10, s23  }
.Ltmp4:
0x4d: {  	(pc) =	sbr.rel @p1 .LBB2_7-.Ltmp4, $4  }
0x4e: {  	_ = 	snop  }
0x4f: {  	s26 =	sand.u32 $0x1C00, s24  }
0x50: {  	s25 =	sand.u32 $0x70, s25;
	s26 =	sadd.s32 s26, s22  }
0x51: {  	s25 =	sadd.s32 s25, s26  }
0x52: {  	s21 =	sadd.s32 $0x1, s21  }
0x53: {  	p1 =	sne.s32 s21, $0x28  }
.Ltmp5:
0x54: {  	_ = 	snop;
	(pc) =	sbr.rel @p1 .LBB2_6-.Ltmp5, $2  }
0x55: {  	_ =	sdelay $0x2  }
0x56: {  	[tilespmem:s25+$0x0] =	vst v0  }
0x57: {  	[hbm4b:s5+s3] =	stream.linear.scatter [tilespmem:s13], [sflag:$0x1], $0xA000, $0x38;
	[tilespmem:$0x1C000] =	vst v63  }
0x58: {  	_ = 	snop  }
0x59: {  	[hbm4b:s7+s3] =	stream.linear.scatter [tilespmem:s14], [sflag:$0x2], $0xA000, $0x38;
	[tilespmem:$0x1C000] =	vst v63  }
.Ltmp6:
0x5a: {  	_ = 	snop;
	(pc) =	sbr.rel @p0 .LBB2_11-.Ltmp6, $4  }
0x5b: {  	_ = 	snop  }
0x5c: {  	[hbm4b:s8+s3] =	stream.linear.scatter [tilespmem:s13], [sflag:$0x3], $0xA000, $0x38;
	[tilespmem:$0x1C000] =	vst v63  }
0x5d: {  	s20 =	simm.s32 $0x4;
	s21 =	smov.u32 s11  }
0x5e: {  	[hbm4b:s9+s3] =	stream.linear.scatter [tilespmem:s14], [sflag:$0x4], $0xA000, $0x38;
	[tilespmem:$0x1C000] =	vst v63  }
.LBB2_10:
0x5f: {  	s22 =	sand.u32 $0x3, s20  }
0x60: {  	p1 =	sgt.s32 s22, $0x1  }
0x61: {  	p2 =	seq.s32 @p1 s22, $0x2  }
0x62: {  	p3 =	por !p2, !p1  }
0x63: {  	s23 =	simm.s32 @!p3 $0x3  }
0x64: {  	_ =	swait.ge @!p3 [sflag:s23], $0xA000  }
0x65: {  	p2 =	por p2, !p1;
	[sflag:s23] =	ssyncset.done @!p3 $0x0  }
0x66: {  	s24 =	simm.s32 @!p3 $0x8000;
	[sflag:s23] =	ssyncadd.s32 @!p3 $0xFFFF6000;
	s23 =	simm.s32 @!p3 $0x0  }
0x67: {  	[hbm4b:s21+s23] =	stream.linear.scatter @!p3 [tilespmem:s24], [sflag:$0x3], $0xA000, $0x38;
	[tilespmem:$0x1C000] =	vst v63  }
0x68: {  	s23 =	simm.s32 @!p2 $0x4  }
0x69: {  	_ =	swait.ge @!p2 [sflag:s23], $0xA000  }
0x6a: {  	[sflag:s23] =	ssyncset.done @!p2 $0x0  }
0x6b: {  	s24 =	simm.s32 @!p2 $0x12000;
	[sflag:s23] =	ssyncadd.s32 @!p2 $0xFFFF6000;
	s23 =	simm.s32 @!p2 $0x0  }
0x6c: {  	[hbm4b:s21+s23] =	stream.linear.scatter @!p2 [tilespmem:s24], [sflag:$0x4], $0xA000, $0x38;
	[tilespmem:$0x1C000] =	vst v63  }
0x6d: {  	p2 =	seq.s32 @!p1 s22, $0x0  }
0x6e: {  	p3 =	por !p2, p1  }
0x6f: {  	s22 =	simm.s32 @!p3 $0x1  }
0x70: {  	_ =	swait.ge @!p3 [sflag:s22], $0xA000  }
0x71: {  	p1 =	por p2, p1;
	[sflag:s22] =	ssyncset.done @!p3 $0x0  }
0x72: {  	s23 =	simm.s32 @!p3 $0x8000;
	[sflag:s22] =	ssyncadd.s32 @!p3 $0xFFFF6000;
	s22 =	simm.s32 @!p3 $0x0  }
0x73: {  	[hbm4b:s21+s22] =	stream.linear.scatter @!p3 [tilespmem:s23], [sflag:$0x1], $0xA000, $0x38;
	[tilespmem:$0x1C000] =	vst v63  }
0x74: {  	s22 =	simm.s32 @!p1 $0x2  }
0x75: {  	s20 =	sadd.s32 $0x1, s20;
	_ =	swait.ge @!p1 [sflag:s22], $0xA000  }
0x76: {  	s31 =	sadd.s32 s20, s6;
	[sflag:s22] =	ssyncset.done @!p1 $0x0  }
0x77: {  	s23 =	simm.s32 @!p1 $0x12000;
	[sflag:s22] =	ssyncadd.s32 @!p1 $0xFFFF6000;
	s22 =	simm.s32 @!p1 $0x0  }
0x78: {  	[hbm4b:s21+s22] =	stream.linear.scatter @!p1 [tilespmem:s23], [sflag:$0x2], $0xA000, $0x38;
	[tilespmem:$0x1C000] =	vst v63  }
0x79: {  	p1 =	slt.u32 s31, s4  }
.Ltmp7:
0x7a: {  	_ = 	snop;
	(pc) =	sbr.rel @p1 .LBB2_10-.Ltmp7, $2  }
0x7b: {  	_ =	sdelay $0x2  }
0x7c: {  	s21 =	sadd.s32 $0x1400, s21  }
.Ltmp8:
0x7d: {  	_ = 	snop;
	(pc) =	sbr.rel .LBB2_11-.Ltmp8, $1  }
0x7e: {  	_ =	sdelay $0x3  }
.LBB2_12:
0x7f: {  	_ =	sfence.sel $0x180000  }
0x80: {  	[bflag:$0x0] =	sbarrier.arrive $0xFFFF  }
0x81: {  	p0 =	sne.s32 s0, $0x0;
	_ =	strace $0x90000047  }
0x82: {  	s0 =	sadd.s32 @!p0 $0x100000, s1;
	[bflag:$0x2] =	sbarrier.arrive $0xFFFF  }
0x83: {  	[sflag:s0] =	ssyncadd.tile.s32 @!p0 $0x1;
	_ =	shalt  }
.Lfunc_end2:
_tile_overlayer_lowered:
.L_overlay_start_2:
0x84: {  	(tag) =	ssettag $0x2  }
0x85: {  	s0 =	rddreg [dreg:$0x0];
	s2 =	stileid.u32  }
0x86: {  	s1 =	rddreg [dreg:$0x1];
	p0 =	sne.s32 s2, $0x0  }
0x87: {  	s3 =	rddreg [dreg:$0x2];
	[bflag:$0x3] =	sbarrier.arrive $0xFFFF;
	s2 =	simm.s32 @!p0 $0x1C05  }
0x88: {  	[timem:s3], [sflag:s2] =	dma.local @!p0 [hbm:s0], s1  }
0x89: {  	s0 =	simm.s32 @!p0 $0x5  }
0x8a: {  	_ =	swait.ge @!p0 [sflag:s0], s1  }
0x8b: {  	s1 =	ssub.s32 @!p0 $0x0, s1;
	[sflag:s0] =	ssyncset.done @!p0 $0x0  }
0x8c: {  	[sflag:s0] =	ssyncadd.s32 @!p0 s1  }
0x8d: {  	[bflag:$0x3] =	sbarrier.arrive $0xFFFF  }
0x8e: {  	_ =	shalt  }

</sc_bundles>
